<compile_context>
chip_gen: v7x
topology: tpu7x:2x2x1
jax: 0.10.2.dev20260603
libtpu: 0.0.44.dev20260713+nightly
codegen_flags: <defaults>
</compile_context>

<pallas_src>
import functools

import jax
import jax.numpy as jnp
from jax import lax
from jax.experimental import pallas as pl
from jax.experimental.pallas import tpu as pltpu
from jax.experimental.pallas import tpu_sc as plsc

B = 1024
N_CTX = 4
D = 512
ROWS = 77
P_PRE, P_MID, P_SUF = 5, 2, 62
OFF_CLS = P_PRE
OFF_MID = OFF_CLS + N_CTX
OFF_CLO = OFF_MID + P_MID
OFF_SUF = OFF_CLO + N_CTX

NW = 32
BPW = B // NW
HALF = BPW // 2


def _sc_body(cls_tab, clo_tab, label_h, cloth_h, tmpl_h,
             out_h,
             label_v, cloth_v, tmpl, cls_buf, clo_buf,
             src_cls, dst_cls, src_clo, dst_clo,
             sem_t, sem_g, sem_s):
    nc = 2
    wid = lax.axis_index("s") * nc + lax.axis_index("c")
    b0 = wid * BPW

    pltpu.sync_copy(label_h.at[pl.ds(b0, BPW)], label_v)
    pltpu.sync_copy(cloth_h.at[pl.ds(b0, BPW)], cloth_v)

    pltpu.sync_copy(tmpl_h, tmpl)

    tmpl_dmas = [
        pltpu.async_copy(tmpl, out_h.at[pl.ds((b0 + e) * ROWS, ROWS)], sem_t)
        for e in range(BPW)
    ]

    lane = lax.iota(jnp.int32, 16)
    for h in range(2):
        for v in range(4 * HALF // 16):
            p = 16 * v + lane
            e_loc = p >> 2
            j = p & 3
            e_buf = HALF * h + e_loc
            lbl = plsc.load_gather(label_v, [e_buf])
            clo = plsc.load_gather(cloth_v, [e_buf])
            g = (b0 + HALF * h + e_loc) * ROWS
            src_cls[pl.ds(16 * v, 16)] = 4 * lbl + j
            src_clo[pl.ds(16 * v, 16)] = 4 * clo + j
            dst_cls[pl.ds(16 * v, 16)] = g + OFF_CLS + j
            dst_clo[pl.ds(16 * v, 16)] = g + OFF_CLO + j

        g1 = pltpu.async_copy(cls_tab.at[src_cls], cls_buf, sem_g)
        g2 = pltpu.async_copy(clo_tab.at[src_clo], clo_buf, sem_g)
        g1.wait()
        g2.wait()

        if h == 0:
            for d in tmpl_dmas:
                d.wait()

        s1 = pltpu.async_copy(cls_buf, out_h.at[dst_cls], sem_s)
        s2 = pltpu.async_copy(clo_buf, out_h.at[dst_clo], sem_s)
        s1.wait()
        s2.wait()


@jax.jit
def _prompt_assemble(label, cloth_label, cls2, clo2, tmpl_full):
    mesh = plsc.VectorSubcoreMesh(core_axis_name="c", subcore_axis_name="s")
    run = pl.kernel(
        _sc_body,
        out_type=jax.ShapeDtypeStruct((B * ROWS, D), jnp.float32),
        mesh=mesh,
        compiler_params=pltpu.CompilerParams(use_tc_tiling_on_sc=False,
                                             needs_layout_passes=False),
        scratch_types=[
            pltpu.VMEM((BPW,), jnp.int32),
            pltpu.VMEM((BPW,), jnp.int32),
            pltpu.VMEM((ROWS, D), jnp.float32),
            pltpu.VMEM((N_CTX * HALF, D), jnp.float32),
            pltpu.VMEM((N_CTX * HALF, D), jnp.float32),
            pltpu.VMEM((N_CTX * HALF,), jnp.int32),
            pltpu.VMEM((N_CTX * HALF,), jnp.int32),
            pltpu.VMEM((N_CTX * HALF,), jnp.int32),
            pltpu.VMEM((N_CTX * HALF,), jnp.int32),
            pltpu.SemaphoreType.DMA,
            pltpu.SemaphoreType.DMA,
            pltpu.SemaphoreType.DMA,
        ],
    )
    return run(cls2, clo2, label, cloth_label, tmpl_full)


def kernel(label, cloth_label, cls_ctx, cls_cloth_ctx,
           token_prefix, token_middle, token_suffix):
    b = label.shape[0]
    cls2 = cls_ctx.reshape(-1, D)
    clo2 = cls_cloth_ctx.reshape(-1, D)
    zeros4 = jnp.zeros((N_CTX, D), jnp.float32)
    tmpl_full = jnp.concatenate(
        [token_prefix.reshape(P_PRE, D), zeros4,
         token_middle.reshape(P_MID, D), zeros4,
         token_suffix.reshape(P_SUF, D)], axis=0)
    out = _prompt_assemble(label.astype(jnp.int32),
                           cloth_label.astype(jnp.int32),
                           cls2, clo2, tmpl_full)
    return (out.reshape(b, ROWS, D), 17)

# --- scband reference (transcript-rebuilt; emitter-appended) ---
"""Pipeline reference for scband-prompt-learner-18863496364531 (READ-ONLY COPY).

The authoritative reference and input builder live on the scoring server;
editing this copy changes nothing except your own understanding.
"""

import jax, jax.numpy as jnp
import numpy as np

NUM_CLASS = 100000
NUM_CLOTH = 1000
B = 1024
N_CLS_CTX = 4
CTX_DIM = 512


def setup_inputs(seed: int = 0) -> dict:
    key = jax.random.key(seed)
    k1, k2, k3, k4, k5, k6, k7 = jax.random.split(key, 7)
    label = jax.random.randint(k1, (B,), 0, NUM_CLASS, dtype=jnp.int64 if jax.config.jax_enable_x64 else jnp.int32)
    cloth_label = jax.random.randint(k2, (B,), 0, NUM_CLOTH, dtype=jnp.int64 if jax.config.jax_enable_x64 else jnp.int32)
    cls_ctx = 0.02 * jax.random.normal(k3, (NUM_CLASS, N_CLS_CTX, CTX_DIM), dtype=jnp.float32)
    cls_cloth_ctx = 0.02 * jax.random.normal(k4, (NUM_CLOTH, N_CLS_CTX, CTX_DIM), dtype=jnp.float32)
    # Frozen CLIP token-embedding buffers (registered buffers in the torch module).
    # prefix = embedding[:, :n_ctx+1, :] -> 5 tokens; middle = embedding[:, 9:11, :] -> 2 tokens;
    # suffix = embedding[:, 15:, :] -> 77 - 15 = 62 tokens.
    token_prefix = jax.random.normal(k5, (1, 5, CTX_DIM), dtype=jnp.float32)
    token_middle = jax.random.normal(k6, (1, 2, CTX_DIM), dtype=jnp.float32)
    token_suffix = jax.random.normal(k7, (1, 62, CTX_DIM), dtype=jnp.float32)
    return {
        'label': label,
        'cloth_label': cloth_label,
        'cls_ctx': cls_ctx,
        'cls_cloth_ctx': cls_cloth_ctx,
        'token_prefix': token_prefix,
        'token_middle': token_middle,
        'token_suffix': token_suffix,
    }


def reference(label, cloth_label, cls_ctx, cls_cloth_ctx, token_prefix, token_middle, token_suffix):
    # Branch: label is not None and cloth_label is not None (main training path).
    b = label.shape[0]
    cls_vec = jnp.take(cls_ctx, label, axis=0)            # [b, 4, 512] gather
    cls_cloth_vec = jnp.take(cls_cloth_ctx, cloth_label, axis=0)  # [b, 4, 512] gather
    prefix = jnp.broadcast_to(token_prefix, (b, token_prefix.shape[1], CTX_DIM))
    middle = jnp.broadcast_to(token_middle, (b, token_middle.shape[1], CTX_DIM))
    suffix = jnp.broadcast_to(token_suffix, (b, token_suffix.shape[1], CTX_DIM))
    prompts = jnp.concatenate([prefix, cls_vec, middle, cls_cloth_vec, suffix], axis=1)  # [b, 77, 512]
    effect_len = 17
    return (prompts, effect_len)

if __name__ == "__main__":
    import jax
    _d = setup_inputs()
    print(jax.jit(kernel)(*tuple(_d.values())))

</pallas_src>

<mosaic_0001>
#map = affine_map<(d0, d1) -> (0, 0)>
#map1 = affine_map<(d0, d1) -> (0)>
module attributes {stable_mosaic.version = 14 : i64} {
  func.func @_sc_body(%arg0: i32, %arg1: i32, %arg2: memref<400000x512xf32, #tpu.memory_space<hbm>>, %arg3: memref<4000x512xf32, #tpu.memory_space<hbm>>, %arg4: memref<1024xi32, #tpu.memory_space<hbm>>, %arg5: memref<1024xi32, #tpu.memory_space<hbm>>, %arg6: memref<77x512xf32, #tpu.memory_space<hbm>>, %arg7: memref<78848x512xf32, #tpu.memory_space<hbm>>, %arg8: memref<32xi32, #tpu.memory_space<vmem>>, %arg9: memref<32xi32, #tpu.memory_space<vmem>>, %arg10: memref<77x512xf32, #tpu.memory_space<vmem>>, %arg11: memref<64x512xf32, #tpu.memory_space<vmem>>, %arg12: memref<64x512xf32, #tpu.memory_space<vmem>>, %arg13: memref<64xi32, #tpu.memory_space<vmem>>, %arg14: memref<64xi32, #tpu.memory_space<vmem>>, %arg15: memref<64xi32, #tpu.memory_space<vmem>>, %arg16: memref<64xi32, #tpu.memory_space<vmem>>, %arg17: memref<!tpu.dma_semaphore, #tpu.memory_space<semaphore_mem>>, %arg18: memref<!tpu.dma_semaphore, #tpu.memory_space<semaphore_mem>>, %arg19: memref<!tpu.dma_semaphore, #tpu.memory_space<semaphore_mem>>) attributes {dimension_semantics = [#tpu.dimension_semantics<core_parallel>, #tpu.dimension_semantics<subcore_parallel>], iteration_bounds = array<i64: 2, 16>, scalar_prefetch = 0 : i64, scratch_operands = 12 : i64, tpu.core_type = #tpu.core_type<sc_vector_subcore>, window_params = [{transform_indices = #map}, {transform_indices = #map}, {transform_indices = #map1}, {transform_indices = #map1}, {transform_indices = #map}, {transform_indices = #map}]} {
    %mul3A = arith.constant 2 : i32
    %mul3A_0 = arith.muli %arg1, %mul3A : i32
    %add3A = arith.addi %mul3A_0, %arg0 : i32
    %mul3A_1 = arith.constant 32 : i32
    %mul3A_2 = arith.muli %add3A, %mul3A_1 : i32
    "tpu.region"() ({
      %run_scoped3A = tpu.sem_alloc : memref<!tpu.dma_semaphore, #tpu.memory_space<semaphore_mem>>
      %dma_start3A_789 = tpu.memref_slice %arg4[%mul3A_2] : memref<1024xi32, #tpu.memory_space<hbm>> -> memref<32xi32, #tpu.memory_space<hbm>>
      %dma_start3A_790 = tpu.memref_slice %arg4[%mul3A_2] : memref<1024xi32, #tpu.memory_space<hbm>> -> memref<32xi32, #tpu.memory_space<hbm>>
      tpu.enqueue_dma source(%dma_start3A_790 : memref<32xi32, #tpu.memory_space<hbm>>) target(%arg8 : memref<32xi32, #tpu.memory_space<vmem>>) target_semaphore(%run_scoped3A : memref<!tpu.dma_semaphore, #tpu.memory_space<semaphore_mem>>)
      %dma_wait3A_791 = tpu.memref_slice %arg4[%mul3A_2] : memref<1024xi32, #tpu.memory_space<hbm>> -> memref<32xi32, #tpu.memory_space<hbm>>
      %dma_wait3A_792 = tpu.memref_slice %arg4[%mul3A_2] : memref<1024xi32, #tpu.memory_space<hbm>> -> memref<32xi32, #tpu.memory_space<hbm>>
      tpu.wait_dma2 semaphore(%run_scoped3A : memref<!tpu.dma_semaphore, #tpu.memory_space<semaphore_mem>>) src(%dma_wait3A_792 : memref<32xi32, #tpu.memory_space<hbm>>) dst(%arg8 : memref<32xi32, #tpu.memory_space<vmem>>)
      tpu.yield
    }) : () -> ()
    "tpu.region"() ({
      %run_scoped3A = tpu.sem_alloc : memref<!tpu.dma_semaphore, #tpu.memory_space<semaphore_mem>>
      %dma_start3A_789 = tpu.memref_slice %arg5[%mul3A_2] : memref<1024xi32, #tpu.memory_space<hbm>> -> memref<32xi32, #tpu.memory_space<hbm>>
      %dma_start3A_790 = tpu.memref_slice %arg5[%mul3A_2] : memref<1024xi32, #tpu.memory_space<hbm>> -> memref<32xi32, #tpu.memory_space<hbm>>
      tpu.enqueue_dma source(%dma_start3A_790 : memref<32xi32, #tpu.memory_space<hbm>>) target(%arg9 : memref<32xi32, #tpu.memory_space<vmem>>) target_semaphore(%run_scoped3A : memref<!tpu.dma_semaphore, #tpu.memory_space<semaphore_mem>>)
      %dma_wait3A_791 = tpu.memref_slice %arg5[%mul3A_2] : memref<1024xi32, #tpu.memory_space<hbm>> -> memref<32xi32, #tpu.memory_space<hbm>>
      %dma_wait3A_792 = tpu.memref_slice %arg5[%mul3A_2] : memref<1024xi32, #tpu.memory_space<hbm>> -> memref<32xi32, #tpu.memory_space<hbm>>
      tpu.wait_dma2 semaphore(%run_scoped3A : memref<!tpu.dma_semaphore, #tpu.memory_space<semaphore_mem>>) src(%dma_wait3A_792 : memref<32xi32, #tpu.memory_space<hbm>>) dst(%arg9 : memref<32xi32, #tpu.memory_space<vmem>>)
      tpu.yield
    }) : () -> ()
    "tpu.region"() ({
      %run_scoped3A = tpu.sem_alloc : memref<!tpu.dma_semaphore, #tpu.memory_space<semaphore_mem>>
      tpu.enqueue_dma source(%arg6 : memref<77x512xf32, #tpu.memory_space<hbm>>) target(%arg10 : memref<77x512xf32, #tpu.memory_space<vmem>>) target_semaphore(%run_scoped3A : memref<!tpu.dma_semaphore, #tpu.memory_space<semaphore_mem>>)
      tpu.wait_dma2 semaphore(%run_scoped3A : memref<!tpu.dma_semaphore, #tpu.memory_space<semaphore_mem>>) src(%arg6 : memref<77x512xf32, #tpu.memory_space<hbm>>) dst(%arg10 : memref<77x512xf32, #tpu.memory_space<vmem>>)
      tpu.yield
    }) : () -> ()
    %add3A_3 = arith.constant 0 : i32
    %add3A_4 = arith.addi %mul3A_2, %add3A_3 : i32
    %mul3A_5 = arith.constant 77 : i32
    %mul3A_6 = arith.muli %add3A_4, %mul3A_5 : i32
    %dma_start3A = arith.constant 0 : i32
    %dma_start3A_7 = tpu.memref_slice %arg7[%mul3A_6, %dma_start3A] : memref<78848x512xf32, #tpu.memory_space<hbm>> -> memref<77x512xf32, #tpu.memory_space<hbm>>
    %dma_start3A_8 = arith.constant 0 : i32
    %dma_start3A_9 = tpu.memref_slice %arg7[%mul3A_6, %dma_start3A_8] : memref<78848x512xf32, #tpu.memory_space<hbm>> -> memref<77x512xf32, #tpu.memory_space<hbm>>
    tpu.enqueue_dma source(%arg10 : memref<77x512xf32, #tpu.memory_space<vmem>>) target(%dma_start3A_9 : memref<77x512xf32, #tpu.memory_space<hbm>>) target_semaphore(%arg17 : memref<!tpu.dma_semaphore, #tpu.memory_space<semaphore_mem>>)
    %add3A_10 = arith.constant 1 : i32
    %add3A_11 = arith.addi %mul3A_2, %add3A_10 : i32
    %mul3A_12 = arith.constant 77 : i32
    %mul3A_13 = arith.muli %add3A_11, %mul3A_12 : i32
    %dma_start3A_14 = arith.constant 0 : i32
    %dma_start3A_15 = tpu.memref_slice %arg7[%mul3A_13, %dma_start3A_14] : memref<78848x512xf32, #tpu.memory_space<hbm>> -> memref<77x512xf32, #tpu.memory_space<hbm>>
    %dma_start3A_16 = arith.constant 0 : i32
    %dma_start3A_17 = tpu.memref_slice %arg7[%mul3A_13, %dma_start3A_16] : memref<78848x512xf32, #tpu.memory_space<hbm>> -> memref<77x512xf32, #tpu.memory_space<hbm>>
    tpu.enqueue_dma source(%arg10 : memref<77x512xf32, #tpu.memory_space<vmem>>) target(%dma_start3A_17 : memref<77x512xf32, #tpu.memory_space<hbm>>) target_semaphore(%arg17 : memref<!tpu.dma_semaphore, #tpu.memory_space<semaphore_mem>>)
    %add3A_18 = arith.constant 2 : i32
    %add3A_19 = arith.addi %mul3A_2, %add3A_18 : i32
    %mul3A_20 = arith.constant 77 : i32
    %mul3A_21 = arith.muli %add3A_19, %mul3A_20 : i32
    %dma_start3A_22 = arith.constant 0 : i32
    %dma_start3A_23 = tpu.memref_slice %arg7[%mul3A_21, %dma_start3A_22] : memref<78848x512xf32, #tpu.memory_space<hbm>> -> memref<77x512xf32, #tpu.memory_space<hbm>>
    %dma_start3A_24 = arith.constant 0 : i32
    %dma_start3A_25 = tpu.memref_slice %arg7[%mul3A_21, %dma_start3A_24] : memref<78848x512xf32, #tpu.memory_space<hbm>> -> memref<77x512xf32, #tpu.memory_space<hbm>>
    tpu.enqueue_dma source(%arg10 : memref<77x512xf32, #tpu.memory_space<vmem>>) target(%dma_start3A_25 : memref<77x512xf32, #tpu.memory_space<hbm>>) target_semaphore(%arg17 : memref<!tpu.dma_semaphore, #tpu.memory_space<semaphore_mem>>)
    %add3A_26 = arith.constant 3 : i32
    %add3A_27 = arith.addi %mul3A_2, %add3A_26 : i32
    %mul3A_28 = arith.constant 77 : i32
    %mul3A_29 = arith.muli %add3A_27, %mul3A_28 : i32
    %dma_start3A_30 = arith.constant 0 : i32
    %dma_start3A_31 = tpu.memref_slice %arg7[%mul3A_29, %dma_start3A_30] : memref<78848x512xf32, #tpu.memory_space<hbm>> -> memref<77x512xf32, #tpu.memory_space<hbm>>
    %dma_start3A_32 = arith.constant 0 : i32
    %dma_start3A_33 = tpu.memref_slice %arg7[%mul3A_29, %dma_start3A_32] : memref<78848x512xf32, #tpu.memory_space<hbm>> -> memref<77x512xf32, #tpu.memory_space<hbm>>
    tpu.enqueue_dma source(%arg10 : memref<77x512xf32, #tpu.memory_space<vmem>>) target(%dma_start3A_33 : memref<77x512xf32, #tpu.memory_space<hbm>>) target_semaphore(%arg17 : memref<!tpu.dma_semaphore, #tpu.memory_space<semaphore_mem>>)
    %add3A_34 = arith.constant 4 : i32
    %add3A_35 = arith.addi %mul3A_2, %add3A_34 : i32
    %mul3A_36 = arith.constant 77 : i32
    %mul3A_37 = arith.muli %add3A_35, %mul3A_36 : i32
    %dma_start3A_38 = arith.constant 0 : i32
    %dma_start3A_39 = tpu.memref_slice %arg7[%mul3A_37, %dma_start3A_38] : memref<78848x512xf32, #tpu.memory_space<hbm>> -> memref<77x512xf32, #tpu.memory_space<hbm>>
    %dma_start3A_40 = arith.constant 0 : i32
    %dma_start3A_41 = tpu.memref_slice %arg7[%mul3A_37, %dma_start3A_40] : memref<78848x512xf32, #tpu.memory_space<hbm>> -> memref<77x512xf32, #tpu.memory_space<hbm>>
    tpu.enqueue_dma source(%arg10 : memref<77x512xf32, #tpu.memory_space<vmem>>) target(%dma_start3A_41 : memref<77x512xf32, #tpu.memory_space<hbm>>) target_semaphore(%arg17 : memref<!tpu.dma_semaphore, #tpu.memory_space<semaphore_mem>>)
    %add3A_42 = arith.constant 5 : i32
    %add3A_43 = arith.addi %mul3A_2, %add3A_42 : i32
    %mul3A_44 = arith.constant 77 : i32
    %mul3A_45 = arith.muli %add3A_43, %mul3A_44 : i32
    %dma_start3A_46 = arith.constant 0 : i32
    %dma_start3A_47 = tpu.memref_slice %arg7[%mul3A_45, %dma_start3A_46] : memref<78848x512xf32, #tpu.memory_space<hbm>> -> memref<77x512xf32, #tpu.memory_space<hbm>>
    %dma_start3A_48 = arith.constant 0 : i32
    %dma_start3A_49 = tpu.memref_slice %arg7[%mul3A_45, %dma_start3A_48] : memref<78848x512xf32, #tpu.memory_space<hbm>> -> memref<77x512xf32, #tpu.memory_space<hbm>>
    tpu.enqueue_dma source(%arg10 : memref<77x512xf32, #tpu.memory_space<vmem>>) target(%dma_start3A_49 : memref<77x512xf32, #tpu.memory_space<hbm>>) target_semaphore(%arg17 : memref<!tpu.dma_semaphore, #tpu.memory_space<semaphore_mem>>)
    %add3A_50 = arith.constant 6 : i32
    %add3A_51 = arith.addi %mul3A_2, %add3A_50 : i32
    %mul3A_52 = arith.constant 77 : i32
    %mul3A_53 = arith.muli %add3A_51, %mul3A_52 : i32
    %dma_start3A_54 = arith.constant 0 : i32
    %dma_start3A_55 = tpu.memref_slice %arg7[%mul3A_53, %dma_start3A_54] : memref<78848x512xf32, #tpu.memory_space<hbm>> -> memref<77x512xf32, #tpu.memory_space<hbm>>
    %dma_start3A_56 = arith.constant 0 : i32
    %dma_start3A_57 = tpu.memref_slice %arg7[%mul3A_53, %dma_start3A_56] : memref<78848x512xf32, #tpu.memory_space<hbm>> -> memref<77x512xf32, #tpu.memory_space<hbm>>
    tpu.enqueue_dma source(%arg10 : memref<77x512xf32, #tpu.memory_space<vmem>>) target(%dma_start3A_57 : memref<77x512xf32, #tpu.memory_space<hbm>>) target_semaphore(%arg17 : memref<!tpu.dma_semaphore, #tpu.memory_space<semaphore_mem>>)
    %add3A_58 = arith.constant 7 : i32
    %add3A_59 = arith.addi %mul3A_2, %add3A_58 : i32
    %mul3A_60 = arith.constant 77 : i32
    %mul3A_61 = arith.muli %add3A_59, %mul3A_60 : i32
    %dma_start3A_62 = arith.constant 0 : i32
    %dma_start3A_63 = tpu.memref_slice %arg7[%mul3A_61, %dma_start3A_62] : memref<78848x512xf32, #tpu.memory_space<hbm>> -> memref<77x512xf32, #tpu.memory_space<hbm>>
    %dma_start3A_64 = arith.constant 0 : i32
    %dma_start3A_65 = tpu.memref_slice %arg7[%mul3A_61, %dma_start3A_64] : memref<78848x512xf32, #tpu.memory_space<hbm>> -> memref<77x512xf32, #tpu.memory_space<hbm>>
    tpu.enqueue_dma source(%arg10 : memref<77x512xf32, #tpu.memory_space<vmem>>) target(%dma_start3A_65 : memref<77x512xf32, #tpu.memory_space<hbm>>) target_semaphore(%arg17 : memref<!tpu.dma_semaphore, #tpu.memory_space<semaphore_mem>>)
    %add3A_66 = arith.constant 8 : i32
    %add3A_67 = arith.addi %mul3A_2, %add3A_66 : i32
    %mul3A_68 = arith.constant 77 : i32
    %mul3A_69 = arith.muli %add3A_67, %mul3A_68 : i32
    %dma_start3A_70 = arith.constant 0 : i32
    %dma_start3A_71 = tpu.memref_slice %arg7[%mul3A_69, %dma_start3A_70] : memref<78848x512xf32, #tpu.memory_space<hbm>> -> memref<77x512xf32, #tpu.memory_space<hbm>>
    %dma_start3A_72 = arith.constant 0 : i32
    %dma_start3A_73 = tpu.memref_slice %arg7[%mul3A_69, %dma_start3A_72] : memref<78848x512xf32, #tpu.memory_space<hbm>> -> memref<77x512xf32, #tpu.memory_space<hbm>>
    tpu.enqueue_dma source(%arg10 : memref<77x512xf32, #tpu.memory_space<vmem>>) target(%dma_start3A_73 : memref<77x512xf32, #tpu.memory_space<hbm>>) target_semaphore(%arg17 : memref<!tpu.dma_semaphore, #tpu.memory_space<semaphore_mem>>)
    %add3A_74 = arith.constant 9 : i32
    %add3A_75 = arith.addi %mul3A_2, %add3A_74 : i32
    %mul3A_76 = arith.constant 77 : i32
    %mul3A_77 = arith.muli %add3A_75, %mul3A_76 : i32
    %dma_start3A_78 = arith.constant 0 : i32
    %dma_start3A_79 = tpu.memref_slice %arg7[%mul3A_77, %dma_start3A_78] : memref<78848x512xf32, #tpu.memory_space<hbm>> -> memref<77x512xf32, #tpu.memory_space<hbm>>
    %dma_start3A_80 = arith.constant 0 : i32
    %dma_start3A_81 = tpu.memref_slice %arg7[%mul3A_77, %dma_start3A_80] : memref<78848x512xf32, #tpu.memory_space<hbm>> -> memref<77x512xf32, #tpu.memory_space<hbm>>
    tpu.enqueue_dma source(%arg10 : memref<77x512xf32, #tpu.memory_space<vmem>>) target(%dma_start3A_81 : memref<77x512xf32, #tpu.memory_space<hbm>>) target_semaphore(%arg17 : memref<!tpu.dma_semaphore, #tpu.memory_space<semaphore_mem>>)
    %add3A_82 = arith.constant 10 : i32
    %add3A_83 = arith.addi %mul3A_2, %add3A_82 : i32
    %mul3A_84 = arith.constant 77 : i32
    %mul3A_85 = arith.muli %add3A_83, %mul3A_84 : i32
    %dma_start3A_86 = arith.constant 0 : i32
    %dma_start3A_87 = tpu.memref_slice %arg7[%mul3A_85, %dma_start3A_86] : memref<78848x512xf32, #tpu.memory_space<hbm>> -> memref<77x512xf32, #tpu.memory_space<hbm>>
    %dma_start3A_88 = arith.constant 0 : i32
    %dma_start3A_89 = tpu.memref_slice %arg7[%mul3A_85, %dma_start3A_88] : memref<78848x512xf32, #tpu.memory_space<hbm>> -> memref<77x512xf32, #tpu.memory_space<hbm>>
    tpu.enqueue_dma source(%arg10 : memref<77x512xf32, #tpu.memory_space<vmem>>) target(%dma_start3A_89 : memref<77x512xf32, #tpu.memory_space<hbm>>) target_semaphore(%arg17 : memref<!tpu.dma_semaphore, #tpu.memory_space<semaphore_mem>>)
    %add3A_90 = arith.constant 11 : i32
    %add3A_91 = arith.addi %mul3A_2, %add3A_90 : i32
    %mul3A_92 = arith.constant 77 : i32
    %mul3A_93 = arith.muli %add3A_91, %mul3A_92 : i32
    %dma_start3A_94 = arith.constant 0 : i32
    %dma_start3A_95 = tpu.memref_slice %arg7[%mul3A_93, %dma_start3A_94] : memref<78848x512xf32, #tpu.memory_space<hbm>> -> memref<77x512xf32, #tpu.memory_space<hbm>>
    %dma_start3A_96 = arith.constant 0 : i32
    %dma_start3A_97 = tpu.memref_slice %arg7[%mul3A_93, %dma_start3A_96] : memref<78848x512xf32, #tpu.memory_space<hbm>> -> memref<77x512xf32, #tpu.memory_space<hbm>>
    tpu.enqueue_dma source(%arg10 : memref<77x512xf32, #tpu.memory_space<vmem>>) target(%dma_start3A_97 : memref<77x512xf32, #tpu.memory_space<hbm>>) target_semaphore(%arg17 : memref<!tpu.dma_semaphore, #tpu.memory_space<semaphore_mem>>)
    %add3A_98 = arith.constant 12 : i32
    %add3A_99 = arith.addi %mul3A_2, %add3A_98 : i32
    %mul3A_100 = arith.constant 77 : i32
    %mul3A_101 = arith.muli %add3A_99, %mul3A_100 : i32
    %dma_start3A_102 = arith.constant 0 : i32
    %dma_start3A_103 = tpu.memref_slice %arg7[%mul3A_101, %dma_start3A_102] : memref<78848x512xf32, #tpu.memory_space<hbm>> -> memref<77x512xf32, #tpu.memory_space<hbm>>
    %dma_start3A_104 = arith.constant 0 : i32
    %dma_start3A_105 = tpu.memref_slice %arg7[%mul3A_101, %dma_start3A_104] : memref<78848x512xf32, #tpu.memory_space<hbm>> -> memref<77x512xf32, #tpu.memory_space<hbm>>
    tpu.enqueue_dma source(%arg10 : memref<77x512xf32, #tpu.memory_space<vmem>>) target(%dma_start3A_105 : memref<77x512xf32, #tpu.memory_space<hbm>>) target_semaphore(%arg17 : memref<!tpu.dma_semaphore, #tpu.memory_space<semaphore_mem>>)
    %add3A_106 = arith.constant 13 : i32
    %add3A_107 = arith.addi %mul3A_2, %add3A_106 : i32
    %mul3A_108 = arith.constant 77 : i32
    %mul3A_109 = arith.muli %add3A_107, %mul3A_108 : i32
    %dma_start3A_110 = arith.constant 0 : i32
    %dma_start3A_111 = tpu.memref_slice %arg7[%mul3A_109, %dma_start3A_110] : memref<78848x512xf32, #tpu.memory_space<hbm>> -> memref<77x512xf32, #tpu.memory_space<hbm>>
    %dma_start3A_112 = arith.constant 0 : i32
    %dma_start3A_113 = tpu.memref_slice %arg7[%mul3A_109, %dma_start3A_112] : memref<78848x512xf32, #tpu.memory_space<hbm>> -> memref<77x512xf32, #tpu.memory_space<hbm>>
    tpu.enqueue_dma source(%arg10 : memref<77x512xf32, #tpu.memory_space<vmem>>) target(%dma_start3A_113 : memref<77x512xf32, #tpu.memory_space<hbm>>) target_semaphore(%arg17 : memref<!tpu.dma_semaphore, #tpu.memory_space<semaphore_mem>>)
    %add3A_114 = arith.constant 14 : i32
    %add3A_115 = arith.addi %mul3A_2, %add3A_114 : i32
    %mul3A_116 = arith.constant 77 : i32
    %mul3A_117 = arith.muli %add3A_115, %mul3A_116 : i32
    %dma_start3A_118 = arith.constant 0 : i32
    %dma_start3A_119 = tpu.memref_slice %arg7[%mul3A_117, %dma_start3A_118] : memref<78848x512xf32, #tpu.memory_space<hbm>> -> memref<77x512xf32, #tpu.memory_space<hbm>>
    %dma_start3A_120 = arith.constant 0 : i32
    %dma_start3A_121 = tpu.memref_slice %arg7[%mul3A_117, %dma_start3A_120] : memref<78848x512xf32, #tpu.memory_space<hbm>> -> memref<77x512xf32, #tpu.memory_space<hbm>>
    tpu.enqueue_dma source(%arg10 : memref<77x512xf32, #tpu.memory_space<vmem>>) target(%dma_start3A_121 : memref<77x512xf32, #tpu.memory_space<hbm>>) target_semaphore(%arg17 : memref<!tpu.dma_semaphore, #tpu.memory_space<semaphore_mem>>)
    %add3A_122 = arith.constant 15 : i32
    %add3A_123 = arith.addi %mul3A_2, %add3A_122 : i32
    %mul3A_124 = arith.constant 77 : i32
    %mul3A_125 = arith.muli %add3A_123, %mul3A_124 : i32
    %dma_start3A_126 = arith.constant 0 : i32
    %dma_start3A_127 = tpu.memref_slice %arg7[%mul3A_125, %dma_start3A_126] : memref<78848x512xf32, #tpu.memory_space<hbm>> -> memref<77x512xf32, #tpu.memory_space<hbm>>
    %dma_start3A_128 = arith.constant 0 : i32
    %dma_start3A_129 = tpu.memref_slice %arg7[%mul3A_125, %dma_start3A_128] : memref<78848x512xf32, #tpu.memory_space<hbm>> -> memref<77x512xf32, #tpu.memory_space<hbm>>
    tpu.enqueue_dma source(%arg10 : memref<77x512xf32, #tpu.memory_space<vmem>>) target(%dma_start3A_129 : memref<77x512xf32, #tpu.memory_space<hbm>>) target_semaphore(%arg17 : memref<!tpu.dma_semaphore, #tpu.memory_space<semaphore_mem>>)
    %add3A_130 = arith.constant 16 : i32
    %add3A_131 = arith.addi %mul3A_2, %add3A_130 : i32
    %mul3A_132 = arith.constant 77 : i32
    %mul3A_133 = arith.muli %add3A_131, %mul3A_132 : i32
    %dma_start3A_134 = arith.constant 0 : i32
    %dma_start3A_135 = tpu.memref_slice %arg7[%mul3A_133, %dma_start3A_134] : memref<78848x512xf32, #tpu.memory_space<hbm>> -> memref<77x512xf32, #tpu.memory_space<hbm>>
    %dma_start3A_136 = arith.constant 0 : i32
    %dma_start3A_137 = tpu.memref_slice %arg7[%mul3A_133, %dma_start3A_136] : memref<78848x512xf32, #tpu.memory_space<hbm>> -> memref<77x512xf32, #tpu.memory_space<hbm>>
    tpu.enqueue_dma source(%arg10 : memref<77x512xf32, #tpu.memory_space<vmem>>) target(%dma_start3A_137 : memref<77x512xf32, #tpu.memory_space<hbm>>) target_semaphore(%arg17 : memref<!tpu.dma_semaphore, #tpu.memory_space<semaphore_mem>>)
    %add3A_138 = arith.constant 17 : i32
    %add3A_139 = arith.addi %mul3A_2, %add3A_138 : i32
    %mul3A_140 = arith.constant 77 : i32
    %mul3A_141 = arith.muli %add3A_139, %mul3A_140 : i32
    %dma_start3A_142 = arith.constant 0 : i32
    %dma_start3A_143 = tpu.memref_slice %arg7[%mul3A_141, %dma_start3A_142] : memref<78848x512xf32, #tpu.memory_space<hbm>> -> memref<77x512xf32, #tpu.memory_space<hbm>>
    %dma_start3A_144 = arith.constant 0 : i32
    %dma_start3A_145 = tpu.memref_slice %arg7[%mul3A_141, %dma_start3A_144] : memref<78848x512xf32, #tpu.memory_space<hbm>> -> memref<77x512xf32, #tpu.memory_space<hbm>>
    tpu.enqueue_dma source(%arg10 : memref<77x512xf32, #tpu.memory_space<vmem>>) target(%dma_start3A_145 : memref<77x512xf32, #tpu.memory_space<hbm>>) target_semaphore(%arg17 : memref<!tpu.dma_semaphore, #tpu.memory_space<semaphore_mem>>)
    %add3A_146 = arith.constant 18 : i32
    %add3A_147 = arith.addi %mul3A_2, %add3A_146 : i32
    %mul3A_148 = arith.constant 77 : i32
    %mul3A_149 = arith.muli %add3A_147, %mul3A_148 : i32
    %dma_start3A_150 = arith.constant 0 : i32
    %dma_start3A_151 = tpu.memref_slice %arg7[%mul3A_149, %dma_start3A_150] : memref<78848x512xf32, #tpu.memory_space<hbm>> -> memref<77x512xf32, #tpu.memory_space<hbm>>
    %dma_start3A_152 = arith.constant 0 : i32
    %dma_start3A_153 = tpu.memref_slice %arg7[%mul3A_149, %dma_start3A_152] : memref<78848x512xf32, #tpu.memory_space<hbm>> -> memref<77x512xf32, #tpu.memory_space<hbm>>
    tpu.enqueue_dma source(%arg10 : memref<77x512xf32, #tpu.memory_space<vmem>>) target(%dma_start3A_153 : memref<77x512xf32, #tpu.memory_space<hbm>>) target_semaphore(%arg17 : memref<!tpu.dma_semaphore, #tpu.memory_space<semaphore_mem>>)
    %add3A_154 = arith.constant 19 : i32
    %add3A_155 = arith.addi %mul3A_2, %add3A_154 : i32
    %mul3A_156 = arith.constant 77 : i32
    %mul3A_157 = arith.muli %add3A_155, %mul3A_156 : i32
    %dma_start3A_158 = arith.constant 0 : i32
    %dma_start3A_159 = tpu.memref_slice %arg7[%mul3A_157, %dma_start3A_158] : memref<78848x512xf32, #tpu.memory_space<hbm>> -> memref<77x512xf32, #tpu.memory_space<hbm>>
    %dma_start3A_160 = arith.constant 0 : i32
    %dma_start3A_161 = tpu.memref_slice %arg7[%mul3A_157, %dma_start3A_160] : memref<78848x512xf32, #tpu.memory_space<hbm>> -> memref<77x512xf32, #tpu.memory_space<hbm>>
    tpu.enqueue_dma source(%arg10 : memref<77x512xf32, #tpu.memory_space<vmem>>) target(%dma_start3A_161 : memref<77x512xf32, #tpu.memory_space<hbm>>) target_semaphore(%arg17 : memref<!tpu.dma_semaphore, #tpu.memory_space<semaphore_mem>>)
    %add3A_162 = arith.constant 20 : i32
    %add3A_163 = arith.addi %mul3A_2, %add3A_162 : i32
    %mul3A_164 = arith.constant 77 : i32
    %mul3A_165 = arith.muli %add3A_163, %mul3A_164 : i32
    %dma_start3A_166 = arith.constant 0 : i32
    %dma_start3A_167 = tpu.memref_slice %arg7[%mul3A_165, %dma_start3A_166] : memref<78848x512xf32, #tpu.memory_space<hbm>> -> memref<77x512xf32, #tpu.memory_space<hbm>>
    %dma_start3A_168 = arith.constant 0 : i32
    %dma_start3A_169 = tpu.memref_slice %arg7[%mul3A_165, %dma_start3A_168] : memref<78848x512xf32, #tpu.memory_space<hbm>> -> memref<77x512xf32, #tpu.memory_space<hbm>>
    tpu.enqueue_dma source(%arg10 : memref<77x512xf32, #tpu.memory_space<vmem>>) target(%dma_start3A_169 : memref<77x512xf32, #tpu.memory_space<hbm>>) target_semaphore(%arg17 : memref<!tpu.dma_semaphore, #tpu.memory_space<semaphore_mem>>)
    %add3A_170 = arith.constant 21 : i32
    %add3A_171 = arith.addi %mul3A_2, %add3A_170 : i32
    %mul3A_172 = arith.constant 77 : i32
    %mul3A_173 = arith.muli %add3A_171, %mul3A_172 : i32
    %dma_start3A_174 = arith.constant 0 : i32
    %dma_start3A_175 = tpu.memref_slice %arg7[%mul3A_173, %dma_start3A_174] : memref<78848x512xf32, #tpu.memory_space<hbm>> -> memref<77x512xf32, #tpu.memory_space<hbm>>
    %dma_start3A_176 = arith.constant 0 : i32
    %dma_start3A_177 = tpu.memref_slice %arg7[%mul3A_173, %dma_start3A_176] : memref<78848x512xf32, #tpu.memory_space<hbm>> -> memref<77x512xf32, #tpu.memory_space<hbm>>
    tpu.enqueue_dma source(%arg10 : memref<77x512xf32, #tpu.memory_space<vmem>>) target(%dma_start3A_177 : memref<77x512xf32, #tpu.memory_space<hbm>>) target_semaphore(%arg17 : memref<!tpu.dma_semaphore, #tpu.memory_space<semaphore_mem>>)
    %add3A_178 = arith.constant 22 : i32
    %add3A_179 = arith.addi %mul3A_2, %add3A_178 : i32
    %mul3A_180 = arith.constant 77 : i32
    %mul3A_181 = arith.muli %add3A_179, %mul3A_180 : i32
    %dma_start3A_182 = arith.constant 0 : i32
    %dma_start3A_183 = tpu.memref_slice %arg7[%mul3A_181, %dma_start3A_182] : memref<78848x512xf32, #tpu.memory_space<hbm>> -> memref<77x512xf32, #tpu.memory_space<hbm>>
    %dma_start3A_184 = arith.constant 0 : i32
    %dma_start3A_185 = tpu.memref_slice %arg7[%mul3A_181, %dma_start3A_184] : memref<78848x512xf32, #tpu.memory_space<hbm>> -> memref<77x512xf32, #tpu.memory_space<hbm>>
    tpu.enqueue_dma source(%arg10 : memref<77x512xf32, #tpu.memory_space<vmem>>) target(%dma_start3A_185 : memref<77x512xf32, #tpu.memory_space<hbm>>) target_semaphore(%arg17 : memref<!tpu.dma_semaphore, #tpu.memory_space<semaphore_mem>>)
    %add3A_186 = arith.constant 23 : i32
    %add3A_187 = arith.addi %mul3A_2, %add3A_186 : i32
    %mul3A_188 = arith.constant 77 : i32
    %mul3A_189 = arith.muli %add3A_187, %mul3A_188 : i32
    %dma_start3A_190 = arith.constant 0 : i32
    %dma_start3A_191 = tpu.memref_slice %arg7[%mul3A_189, %dma_start3A_190] : memref<78848x512xf32, #tpu.memory_space<hbm>> -> memref<77x512xf32, #tpu.memory_space<hbm>>
    %dma_start3A_192 = arith.constant 0 : i32
    %dma_start3A_193 = tpu.memref_slice %arg7[%mul3A_189, %dma_start3A_192] : memref<78848x512xf32, #tpu.memory_space<hbm>> -> memref<77x512xf32, #tpu.memory_space<hbm>>
    tpu.enqueue_dma source(%arg10 : memref<77x512xf32, #tpu.memory_space<vmem>>) target(%dma_start3A_193 : memref<77x512xf32, #tpu.memory_space<hbm>>) target_semaphore(%arg17 : memref<!tpu.dma_semaphore, #tpu.memory_space<semaphore_mem>>)
    %add3A_194 = arith.constant 24 : i32
    %add3A_195 = arith.addi %mul3A_2, %add3A_194 : i32
    %mul3A_196 = arith.constant 77 : i32
    %mul3A_197 = arith.muli %add3A_195, %mul3A_196 : i32
    %dma_start3A_198 = arith.constant 0 : i32
    %dma_start3A_199 = tpu.memref_slice %arg7[%mul3A_197, %dma_start3A_198] : memref<78848x512xf32, #tpu.memory_space<hbm>> -> memref<77x512xf32, #tpu.memory_space<hbm>>
    %dma_start3A_200 = arith.constant 0 : i32
    %dma_start3A_201 = tpu.memref_slice %arg7[%mul3A_197, %dma_start3A_200] : memref<78848x512xf32, #tpu.memory_space<hbm>> -> memref<77x512xf32, #tpu.memory_space<hbm>>
    tpu.enqueue_dma source(%arg10 : memref<77x512xf32, #tpu.memory_space<vmem>>) target(%dma_start3A_201 : memref<77x512xf32, #tpu.memory_space<hbm>>) target_semaphore(%arg17 : memref<!tpu.dma_semaphore, #tpu.memory_space<semaphore_mem>>)
    %add3A_202 = arith.constant 25 : i32
    %add3A_203 = arith.addi %mul3A_2, %add3A_202 : i32
    %mul3A_204 = arith.constant 77 : i32
    %mul3A_205 = arith.muli %add3A_203, %mul3A_204 : i32
    %dma_start3A_206 = arith.constant 0 : i32
    %dma_start3A_207 = tpu.memref_slice %arg7[%mul3A_205, %dma_start3A_206] : memref<78848x512xf32, #tpu.memory_space<hbm>> -> memref<77x512xf32, #tpu.memory_space<hbm>>
    %dma_start3A_208 = arith.constant 0 : i32
    %dma_start3A_209 = tpu.memref_slice %arg7[%mul3A_205, %dma_start3A_208] : memref<78848x512xf32, #tpu.memory_space<hbm>> -> memref<77x512xf32, #tpu.memory_space<hbm>>
    tpu.enqueue_dma source(%arg10 : memref<77x512xf32, #tpu.memory_space<vmem>>) target(%dma_start3A_209 : memref<77x512xf32, #tpu.memory_space<hbm>>) target_semaphore(%arg17 : memref<!tpu.dma_semaphore, #tpu.memory_space<semaphore_mem>>)
    %add3A_210 = arith.constant 26 : i32
    %add3A_211 = arith.addi %mul3A_2, %add3A_210 : i32
    %mul3A_212 = arith.constant 77 : i32
    %mul3A_213 = arith.muli %add3A_211, %mul3A_212 : i32
    %dma_start3A_214 = arith.constant 0 : i32
    %dma_start3A_215 = tpu.memref_slice %arg7[%mul3A_213, %dma_start3A_214] : memref<78848x512xf32, #tpu.memory_space<hbm>> -> memref<77x512xf32, #tpu.memory_space<hbm>>
    %dma_start3A_216 = arith.constant 0 : i32
    %dma_start3A_217 = tpu.memref_slice %arg7[%mul3A_213, %dma_start3A_216] : memref<78848x512xf32, #tpu.memory_space<hbm>> -> memref<77x512xf32, #tpu.memory_space<hbm>>
    tpu.enqueue_dma source(%arg10 : memref<77x512xf32, #tpu.memory_space<vmem>>) target(%dma_start3A_217 : memref<77x512xf32, #tpu.memory_space<hbm>>) target_semaphore(%arg17 : memref<!tpu.dma_semaphore, #tpu.memory_space<semaphore_mem>>)
    %add3A_218 = arith.constant 27 : i32
    %add3A_219 = arith.addi %mul3A_2, %add3A_218 : i32
    %mul3A_220 = arith.constant 77 : i32
    %mul3A_221 = arith.muli %add3A_219, %mul3A_220 : i32
    %dma_start3A_222 = arith.constant 0 : i32
    %dma_start3A_223 = tpu.memref_slice %arg7[%mul3A_221, %dma_start3A_222] : memref<78848x512xf32, #tpu.memory_space<hbm>> -> memref<77x512xf32, #tpu.memory_space<hbm>>
    %dma_start3A_224 = arith.constant 0 : i32
    %dma_start3A_225 = tpu.memref_slice %arg7[%mul3A_221, %dma_start3A_224] : memref<78848x512xf32, #tpu.memory_space<hbm>> -> memref<77x512xf32, #tpu.memory_space<hbm>>
    tpu.enqueue_dma source(%arg10 : memref<77x512xf32, #tpu.memory_space<vmem>>) target(%dma_start3A_225 : memref<77x512xf32, #tpu.memory_space<hbm>>) target_semaphore(%arg17 : memref<!tpu.dma_semaphore, #tpu.memory_space<semaphore_mem>>)
    %add3A_226 = arith.constant 28 : i32
    %add3A_227 = arith.addi %mul3A_2, %add3A_226 : i32
    %mul3A_228 = arith.constant 77 : i32
    %mul3A_229 = arith.muli %add3A_227, %mul3A_228 : i32
    %dma_start3A_230 = arith.constant 0 : i32
    %dma_start3A_231 = tpu.memref_slice %arg7[%mul3A_229, %dma_start3A_230] : memref<78848x512xf32, #tpu.memory_space<hbm>> -> memref<77x512xf32, #tpu.memory_space<hbm>>
    %dma_start3A_232 = arith.constant 0 : i32
    %dma_start3A_233 = tpu.memref_slice %arg7[%mul3A_229, %dma_start3A_232] : memref<78848x512xf32, #tpu.memory_space<hbm>> -> memref<77x512xf32, #tpu.memory_space<hbm>>
    tpu.enqueue_dma source(%arg10 : memref<77x512xf32, #tpu.memory_space<vmem>>) target(%dma_start3A_233 : memref<77x512xf32, #tpu.memory_space<hbm>>) target_semaphore(%arg17 : memref<!tpu.dma_semaphore, #tpu.memory_space<semaphore_mem>>)
    %add3A_234 = arith.constant 29 : i32
    %add3A_235 = arith.addi %mul3A_2, %add3A_234 : i32
    %mul3A_236 = arith.constant 77 : i32
    %mul3A_237 = arith.muli %add3A_235, %mul3A_236 : i32
    %dma_start3A_238 = arith.constant 0 : i32
    %dma_start3A_239 = tpu.memref_slice %arg7[%mul3A_237, %dma_start3A_238] : memref<78848x512xf32, #tpu.memory_space<hbm>> -> memref<77x512xf32, #tpu.memory_space<hbm>>
    %dma_start3A_240 = arith.constant 0 : i32
    %dma_start3A_241 = tpu.memref_slice %arg7[%mul3A_237, %dma_start3A_240] : memref<78848x512xf32, #tpu.memory_space<hbm>> -> memref<77x512xf32, #tpu.memory_space<hbm>>
    tpu.enqueue_dma source(%arg10 : memref<77x512xf32, #tpu.memory_space<vmem>>) target(%dma_start3A_241 : memref<77x512xf32, #tpu.memory_space<hbm>>) target_semaphore(%arg17 : memref<!tpu.dma_semaphore, #tpu.memory_space<semaphore_mem>>)
    %add3A_242 = arith.constant 30 : i32
    %add3A_243 = arith.addi %mul3A_2, %add3A_242 : i32
    %mul3A_244 = arith.constant 77 : i32
    %mul3A_245 = arith.muli %add3A_243, %mul3A_244 : i32
    %dma_start3A_246 = arith.constant 0 : i32
    %dma_start3A_247 = tpu.memref_slice %arg7[%mul3A_245, %dma_start3A_246] : memref<78848x512xf32, #tpu.memory_space<hbm>> -> memref<77x512xf32, #tpu.memory_space<hbm>>
    %dma_start3A_248 = arith.constant 0 : i32
    %dma_start3A_249 = tpu.memref_slice %arg7[%mul3A_245, %dma_start3A_248] : memref<78848x512xf32, #tpu.memory_space<hbm>> -> memref<77x512xf32, #tpu.memory_space<hbm>>
    tpu.enqueue_dma source(%arg10 : memref<77x512xf32, #tpu.memory_space<vmem>>) target(%dma_start3A_249 : memref<77x512xf32, #tpu.memory_space<hbm>>) target_semaphore(%arg17 : memref<!tpu.dma_semaphore, #tpu.memory_space<semaphore_mem>>)
    %add3A_250 = arith.constant 31 : i32
    %add3A_251 = arith.addi %mul3A_2, %add3A_250 : i32
    %mul3A_252 = arith.constant 77 : i32
    %mul3A_253 = arith.muli %add3A_251, %mul3A_252 : i32
    %dma_start3A_254 = arith.constant 0 : i32
    %dma_start3A_255 = tpu.memref_slice %arg7[%mul3A_253, %dma_start3A_254] : memref<78848x512xf32, #tpu.memory_space<hbm>> -> memref<77x512xf32, #tpu.memory_space<hbm>>
    %dma_start3A_256 = arith.constant 0 : i32
    %dma_start3A_257 = tpu.memref_slice %arg7[%mul3A_253, %dma_start3A_256] : memref<78848x512xf32, #tpu.memory_space<hbm>> -> memref<77x512xf32, #tpu.memory_space<hbm>>
    tpu.enqueue_dma source(%arg10 : memref<77x512xf32, #tpu.memory_space<vmem>>) target(%dma_start3A_257 : memref<77x512xf32, #tpu.memory_space<hbm>>) target_semaphore(%arg17 : memref<!tpu.dma_semaphore, #tpu.memory_space<semaphore_mem>>)
    %iota3A = tpu.iota {dimensions = array<i32: 0>} : vector<16xi32>
    %add3A_258 = arith.constant 0 : i32
    %add3A_259 = vector.broadcast %add3A_258 : i32 to vector<16xi32>
    %add3A_260 = arith.addi %add3A_259, %iota3A : vector<16xi32>
    %shift_right_arithmetic3A = arith.constant 2 : i32
    %shift_right_arithmetic3A_261 = vector.broadcast %shift_right_arithmetic3A : i32 to vector<16xi32>
    %shift_right_arithmetic3A_262 = arith.shrsi %add3A_260, %shift_right_arithmetic3A_261 : vector<16xi32>
    %and3A = arith.constant 3 : i32
    %and3A_263 = vector.broadcast %and3A : i32 to vector<16xi32>
    %and3A_264 = arith.andi %add3A_260, %and3A_263 : vector<16xi32>
    %add3A_265 = arith.constant 0 : i32
    %add3A_266 = vector.broadcast %add3A_265 : i32 to vector<16xi32>
    %add3A_267 = arith.addi %add3A_266, %shift_right_arithmetic3A_262 : vector<16xi32>
    %gather3A = tpu.vector_load_idx %arg8[%add3A_267] : memref<32xi32, #tpu.memory_space<vmem>>[vector<16xi32>], vector<16xi32>,
    %gather3A_268 = tpu.vector_load_idx %arg9[%add3A_267] : memref<32xi32, #tpu.memory_space<vmem>>[vector<16xi32>], vector<16xi32>,
    %add3A_269 = arith.constant 0 : i32
    %add3A_270 = arith.addi %mul3A_2, %add3A_269 : i32
    %add3A_271 = vector.broadcast %add3A_270 : i32 to vector<16xi32>
    %add3A_272 = arith.addi %add3A_271, %shift_right_arithmetic3A_262 : vector<16xi32>
    %mul3A_273 = arith.constant 77 : i32
    %mul3A_274 = vector.broadcast %mul3A_273 : i32 to vector<16xi32>
    %mul3A_275 = arith.muli %add3A_272, %mul3A_274 : vector<16xi32>
    %mul3A_276 = arith.constant 4 : i32
    %mul3A_277 = vector.broadcast %mul3A_276 : i32 to vector<16xi32>
    %mul3A_278 = arith.muli %mul3A_277, %gather3A : vector<16xi32>
    %add3A_279 = arith.addi %mul3A_278, %and3A_264 : vector<16xi32>
    %swap3A = arith.constant 0 : index
    %swap3A_280 = tpu.vector_load %arg13[%swap3A] {strides = array<i32>} : memref<64xi32, #tpu.memory_space<vmem>>, vector<16xi32>,
    tpu.vector_store %arg13[%swap3A], %add3A_279 {strides = array<i32>} : memref<64xi32, #tpu.memory_space<vmem>>, vector<16xi32>,
    %mul3A_281 = arith.constant 4 : i32
    %mul3A_282 = vector.broadcast %mul3A_281 : i32 to vector<16xi32>
    %mul3A_283 = arith.muli %mul3A_282, %gather3A_268 : vector<16xi32>
    %add3A_284 = arith.addi %mul3A_283, %and3A_264 : vector<16xi32>
    %swap3A_285 = arith.constant 0 : index
    %swap3A_286 = tpu.vector_load %arg15[%swap3A_285] {strides = array<i32>} : memref<64xi32, #tpu.memory_space<vmem>>, vector<16xi32>,
    tpu.vector_store %arg15[%swap3A_285], %add3A_284 {strides = array<i32>} : memref<64xi32, #tpu.memory_space<vmem>>, vector<16xi32>,
    %add3A_287 = arith.constant 5 : i32
    %add3A_288 = vector.broadcast %add3A_287 : i32 to vector<16xi32>
    %add3A_289 = arith.addi %mul3A_275, %add3A_288 : vector<16xi32>
    %add3A_290 = arith.addi %add3A_289, %and3A_264 : vector<16xi32>
    %swap3A_291 = arith.constant 0 : index
    %swap3A_292 = tpu.vector_load %arg14[%swap3A_291] {strides = array<i32>} : memref<64xi32, #tpu.memory_space<vmem>>, vector<16xi32>,
    tpu.vector_store %arg14[%swap3A_291], %add3A_290 {strides = array<i32>} : memref<64xi32, #tpu.memory_space<vmem>>, vector<16xi32>,
    %add3A_293 = arith.constant 11 : i32
    %add3A_294 = vector.broadcast %add3A_293 : i32 to vector<16xi32>
    %add3A_295 = arith.addi %mul3A_275, %add3A_294 : vector<16xi32>
    %add3A_296 = arith.addi %add3A_295, %and3A_264 : vector<16xi32>
    %swap3A_297 = arith.constant 0 : index
    %swap3A_298 = tpu.vector_load %arg16[%swap3A_297] {strides = array<i32>} : memref<64xi32, #tpu.memory_space<vmem>>, vector<16xi32>,
    tpu.vector_store %arg16[%swap3A_297], %add3A_296 {strides = array<i32>} : memref<64xi32, #tpu.memory_space<vmem>>, vector<16xi32>,
    %add3A_299 = arith.constant 16 : i32
    %add3A_300 = vector.broadcast %add3A_299 : i32 to vector<16xi32>
    %add3A_301 = arith.addi %add3A_300, %iota3A : vector<16xi32>
    %shift_right_arithmetic3A_302 = arith.constant 2 : i32
    %shift_right_arithmetic3A_303 = vector.broadcast %shift_right_arithmetic3A_302 : i32 to vector<16xi32>
    %shift_right_arithmetic3A_304 = arith.shrsi %add3A_301, %shift_right_arithmetic3A_303 : vector<16xi32>
    %and3A_305 = arith.constant 3 : i32
    %and3A_306 = vector.broadcast %and3A_305 : i32 to vector<16xi32>
    %and3A_307 = arith.andi %add3A_301, %and3A_306 : vector<16xi32>
    %add3A_308 = arith.constant 0 : i32
    %add3A_309 = vector.broadcast %add3A_308 : i32 to vector<16xi32>
    %add3A_310 = arith.addi %add3A_309, %shift_right_arithmetic3A_304 : vector<16xi32>
    %gather3A_311 = tpu.vector_load_idx %arg8[%add3A_310] : memref<32xi32, #tpu.memory_space<vmem>>[vector<16xi32>], vector<16xi32>,
    %gather3A_312 = tpu.vector_load_idx %arg9[%add3A_310] : memref<32xi32, #tpu.memory_space<vmem>>[vector<16xi32>], vector<16xi32>,
    %add3A_313 = arith.constant 0 : i32
    %add3A_314 = arith.addi %mul3A_2, %add3A_313 : i32
    %add3A_315 = vector.broadcast %add3A_314 : i32 to vector<16xi32>
    %add3A_316 = arith.addi %add3A_315, %shift_right_arithmetic3A_304 : vector<16xi32>
    %mul3A_317 = arith.constant 77 : i32
    %mul3A_318 = vector.broadcast %mul3A_317 : i32 to vector<16xi32>
    %mul3A_319 = arith.muli %add3A_316, %mul3A_318 : vector<16xi32>
    %mul3A_320 = arith.constant 4 : i32
    %mul3A_321 = vector.broadcast %mul3A_320 : i32 to vector<16xi32>
    %mul3A_322 = arith.muli %mul3A_321, %gather3A_311 : vector<16xi32>
    %add3A_323 = arith.addi %mul3A_322, %and3A_307 : vector<16xi32>
    %swap3A_324 = arith.constant 16 : index
    %swap3A_325 = tpu.vector_load %arg13[%swap3A_324] {strides = array<i32>} : memref<64xi32, #tpu.memory_space<vmem>>, vector<16xi32>,
    tpu.vector_store %arg13[%swap3A_324], %add3A_323 {strides = array<i32>} : memref<64xi32, #tpu.memory_space<vmem>>, vector<16xi32>,
    %mul3A_326 = arith.constant 4 : i32
    %mul3A_327 = vector.broadcast %mul3A_326 : i32 to vector<16xi32>
    %mul3A_328 = arith.muli %mul3A_327, %gather3A_312 : vector<16xi32>
    %add3A_329 = arith.addi %mul3A_328, %and3A_307 : vector<16xi32>
    %swap3A_330 = arith.constant 16 : index
    %swap3A_331 = tpu.vector_load %arg15[%swap3A_330] {strides = array<i32>} : memref<64xi32, #tpu.memory_space<vmem>>, vector<16xi32>,
    tpu.vector_store %arg15[%swap3A_330], %add3A_329 {strides = array<i32>} : memref<64xi32, #tpu.memory_space<vmem>>, vector<16xi32>,
    %add3A_332 = arith.constant 5 : i32
    %add3A_333 = vector.broadcast %add3A_332 : i32 to vector<16xi32>
    %add3A_334 = arith.addi %mul3A_319, %add3A_333 : vector<16xi32>
    %add3A_335 = arith.addi %add3A_334, %and3A_307 : vector<16xi32>
    %swap3A_336 = arith.constant 16 : index
    %swap3A_337 = tpu.vector_load %arg14[%swap3A_336] {strides = array<i32>} : memref<64xi32, #tpu.memory_space<vmem>>, vector<16xi32>,
    tpu.vector_store %arg14[%swap3A_336], %add3A_335 {strides = array<i32>} : memref<64xi32, #tpu.memory_space<vmem>>, vector<16xi32>,
    %add3A_338 = arith.constant 11 : i32
    %add3A_339 = vector.broadcast %add3A_338 : i32 to vector<16xi32>
    %add3A_340 = arith.addi %mul3A_319, %add3A_339 : vector<16xi32>
    %add3A_341 = arith.addi %add3A_340, %and3A_307 : vector<16xi32>
    %swap3A_342 = arith.constant 16 : index
    %swap3A_343 = tpu.vector_load %arg16[%swap3A_342] {strides = array<i32>} : memref<64xi32, #tpu.memory_space<vmem>>, vector<16xi32>,
    tpu.vector_store %arg16[%swap3A_342], %add3A_341 {strides = array<i32>} : memref<64xi32, #tpu.memory_space<vmem>>, vector<16xi32>,
    %add3A_344 = arith.constant 32 : i32
    %add3A_345 = vector.broadcast %add3A_344 : i32 to vector<16xi32>
    %add3A_346 = arith.addi %add3A_345, %iota3A : vector<16xi32>
    %shift_right_arithmetic3A_347 = arith.constant 2 : i32
    %shift_right_arithmetic3A_348 = vector.broadcast %shift_right_arithmetic3A_347 : i32 to vector<16xi32>
    %shift_right_arithmetic3A_349 = arith.shrsi %add3A_346, %shift_right_arithmetic3A_348 : vector<16xi32>
    %and3A_350 = arith.constant 3 : i32
    %and3A_351 = vector.broadcast %and3A_350 : i32 to vector<16xi32>
    %and3A_352 = arith.andi %add3A_346, %and3A_351 : vector<16xi32>
    %add3A_353 = arith.constant 0 : i32
    %add3A_354 = vector.broadcast %add3A_353 : i32 to vector<16xi32>
    %add3A_355 = arith.addi %add3A_354, %shift_right_arithmetic3A_349 : vector<16xi32>
    %gather3A_356 = tpu.vector_load_idx %arg8[%add3A_355] : memref<32xi32, #tpu.memory_space<vmem>>[vector<16xi32>], vector<16xi32>,
    %gather3A_357 = tpu.vector_load_idx %arg9[%add3A_355] : memref<32xi32, #tpu.memory_space<vmem>>[vector<16xi32>], vector<16xi32>,
    %add3A_358 = arith.constant 0 : i32
    %add3A_359 = arith.addi %mul3A_2, %add3A_358 : i32
    %add3A_360 = vector.broadcast %add3A_359 : i32 to vector<16xi32>
    %add3A_361 = arith.addi %add3A_360, %shift_right_arithmetic3A_349 : vector<16xi32>
    %mul3A_362 = arith.constant 77 : i32
    %mul3A_363 = vector.broadcast %mul3A_362 : i32 to vector<16xi32>
    %mul3A_364 = arith.muli %add3A_361, %mul3A_363 : vector<16xi32>
    %mul3A_365 = arith.constant 4 : i32
    %mul3A_366 = vector.broadcast %mul3A_365 : i32 to vector<16xi32>
    %mul3A_367 = arith.muli %mul3A_366, %gather3A_356 : vector<16xi32>
    %add3A_368 = arith.addi %mul3A_367, %and3A_352 : vector<16xi32>
    %swap3A_369 = arith.constant 32 : index
    %swap3A_370 = tpu.vector_load %arg13[%swap3A_369] {strides = array<i32>} : memref<64xi32, #tpu.memory_space<vmem>>, vector<16xi32>,
    tpu.vector_store %arg13[%swap3A_369], %add3A_368 {strides = array<i32>} : memref<64xi32, #tpu.memory_space<vmem>>, vector<16xi32>,
    %mul3A_371 = arith.constant 4 : i32
    %mul3A_372 = vector.broadcast %mul3A_371 : i32 to vector<16xi32>
    %mul3A_373 = arith.muli %mul3A_372, %gather3A_357 : vector<16xi32>
    %add3A_374 = arith.addi %mul3A_373, %and3A_352 : vector<16xi32>
    %swap3A_375 = arith.constant 32 : index
    %swap3A_376 = tpu.vector_load %arg15[%swap3A_375] {strides = array<i32>} : memref<64xi32, #tpu.memory_space<vmem>>, vector<16xi32>,
    tpu.vector_store %arg15[%swap3A_375], %add3A_374 {strides = array<i32>} : memref<64xi32, #tpu.memory_space<vmem>>, vector<16xi32>,
    %add3A_377 = arith.constant 5 : i32
    %add3A_378 = vector.broadcast %add3A_377 : i32 to vector<16xi32>
    %add3A_379 = arith.addi %mul3A_364, %add3A_378 : vector<16xi32>
    %add3A_380 = arith.addi %add3A_379, %and3A_352 : vector<16xi32>
    %swap3A_381 = arith.constant 32 : index
    %swap3A_382 = tpu.vector_load %arg14[%swap3A_381] {strides = array<i32>} : memref<64xi32, #tpu.memory_space<vmem>>, vector<16xi32>,
    tpu.vector_store %arg14[%swap3A_381], %add3A_380 {strides = array<i32>} : memref<64xi32, #tpu.memory_space<vmem>>, vector<16xi32>,
    %add3A_383 = arith.constant 11 : i32
    %add3A_384 = vector.broadcast %add3A_383 : i32 to vector<16xi32>
    %add3A_385 = arith.addi %mul3A_364, %add3A_384 : vector<16xi32>
    %add3A_386 = arith.addi %add3A_385, %and3A_352 : vector<16xi32>
    %swap3A_387 = arith.constant 32 : index
    %swap3A_388 = tpu.vector_load %arg16[%swap3A_387] {strides = array<i32>} : memref<64xi32, #tpu.memory_space<vmem>>, vector<16xi32>,
    tpu.vector_store %arg16[%swap3A_387], %add3A_386 {strides = array<i32>} : memref<64xi32, #tpu.memory_space<vmem>>, vector<16xi32>,
    %add3A_389 = arith.constant 48 : i32
    %add3A_390 = vector.broadcast %add3A_389 : i32 to vector<16xi32>
    %add3A_391 = arith.addi %add3A_390, %iota3A : vector<16xi32>
    %shift_right_arithmetic3A_392 = arith.constant 2 : i32
    %shift_right_arithmetic3A_393 = vector.broadcast %shift_right_arithmetic3A_392 : i32 to vector<16xi32>
    %shift_right_arithmetic3A_394 = arith.shrsi %add3A_391, %shift_right_arithmetic3A_393 : vector<16xi32>
    %and3A_395 = arith.constant 3 : i32
    %and3A_396 = vector.broadcast %and3A_395 : i32 to vector<16xi32>
    %and3A_397 = arith.andi %add3A_391, %and3A_396 : vector<16xi32>
    %add3A_398 = arith.constant 0 : i32
    %add3A_399 = vector.broadcast %add3A_398 : i32 to vector<16xi32>
    %add3A_400 = arith.addi %add3A_399, %shift_right_arithmetic3A_394 : vector<16xi32>
    %gather3A_401 = tpu.vector_load_idx %arg8[%add3A_400] : memref<32xi32, #tpu.memory_space<vmem>>[vector<16xi32>], vector<16xi32>,
    %gather3A_402 = tpu.vector_load_idx %arg9[%add3A_400] : memref<32xi32, #tpu.memory_space<vmem>>[vector<16xi32>], vector<16xi32>,
    %add3A_403 = arith.constant 0 : i32
    %add3A_404 = arith.addi %mul3A_2, %add3A_403 : i32
    %add3A_405 = vector.broadcast %add3A_404 : i32 to vector<16xi32>
    %add3A_406 = arith.addi %add3A_405, %shift_right_arithmetic3A_394 : vector<16xi32>
    %mul3A_407 = arith.constant 77 : i32
    %mul3A_408 = vector.broadcast %mul3A_407 : i32 to vector<16xi32>
    %mul3A_409 = arith.muli %add3A_406, %mul3A_408 : vector<16xi32>
    %mul3A_410 = arith.constant 4 : i32
    %mul3A_411 = vector.broadcast %mul3A_410 : i32 to vector<16xi32>
    %mul3A_412 = arith.muli %mul3A_411, %gather3A_401 : vector<16xi32>
    %add3A_413 = arith.addi %mul3A_412, %and3A_397 : vector<16xi32>
    %swap3A_414 = arith.constant 48 : index
    %swap3A_415 = tpu.vector_load %arg13[%swap3A_414] {strides = array<i32>} : memref<64xi32, #tpu.memory_space<vmem>>, vector<16xi32>,
    tpu.vector_store %arg13[%swap3A_414], %add3A_413 {strides = array<i32>} : memref<64xi32, #tpu.memory_space<vmem>>, vector<16xi32>,
    %mul3A_416 = arith.constant 4 : i32
    %mul3A_417 = vector.broadcast %mul3A_416 : i32 to vector<16xi32>
    %mul3A_418 = arith.muli %mul3A_417, %gather3A_402 : vector<16xi32>
    %add3A_419 = arith.addi %mul3A_418, %and3A_397 : vector<16xi32>
    %swap3A_420 = arith.constant 48 : index
    %swap3A_421 = tpu.vector_load %arg15[%swap3A_420] {strides = array<i32>} : memref<64xi32, #tpu.memory_space<vmem>>, vector<16xi32>,
    tpu.vector_store %arg15[%swap3A_420], %add3A_419 {strides = array<i32>} : memref<64xi32, #tpu.memory_space<vmem>>, vector<16xi32>,
    %add3A_422 = arith.constant 5 : i32
    %add3A_423 = vector.broadcast %add3A_422 : i32 to vector<16xi32>
    %add3A_424 = arith.addi %mul3A_409, %add3A_423 : vector<16xi32>
    %add3A_425 = arith.addi %add3A_424, %and3A_397 : vector<16xi32>
    %swap3A_426 = arith.constant 48 : index
    %swap3A_427 = tpu.vector_load %arg14[%swap3A_426] {strides = array<i32>} : memref<64xi32, #tpu.memory_space<vmem>>, vector<16xi32>,
    tpu.vector_store %arg14[%swap3A_426], %add3A_425 {strides = array<i32>} : memref<64xi32, #tpu.memory_space<vmem>>, vector<16xi32>,
    %add3A_428 = arith.constant 11 : i32
    %add3A_429 = vector.broadcast %add3A_428 : i32 to vector<16xi32>
    %add3A_430 = arith.addi %mul3A_409, %add3A_429 : vector<16xi32>
    %add3A_431 = arith.addi %add3A_430, %and3A_397 : vector<16xi32>
    %swap3A_432 = arith.constant 48 : index
    %swap3A_433 = tpu.vector_load %arg16[%swap3A_432] {strides = array<i32>} : memref<64xi32, #tpu.memory_space<vmem>>, vector<16xi32>,
    tpu.vector_store %arg16[%swap3A_432], %add3A_431 {strides = array<i32>} : memref<64xi32, #tpu.memory_space<vmem>>, vector<16xi32>,
    %dma_start3A_434 = arith.constant 0 : i32
    %dma_start3A_435 = arith.constant 0 : i32
    %dma_start3A_436 = tpu.memref_slice %arg2[%dma_start3A_434, %dma_start3A_435] : memref<400000x512xf32, #tpu.memory_space<hbm>> -> memref<400000x512xf32, #tpu.memory_space<hbm>>
    tpu.enqueue_indirect_dma source(%dma_start3A_436 : memref<400000x512xf32, #tpu.memory_space<hbm>>) target(%arg11 : memref<64x512xf32, #tpu.memory_space<vmem>>) offsets(%arg13 : memref<64xi32, #tpu.memory_space<vmem>>) semaphore(%arg18 : memref<!tpu.dma_semaphore, #tpu.memory_space<semaphore_mem>>)
    %dma_start3A_437 = arith.constant 0 : i32
    %dma_start3A_438 = arith.constant 0 : i32
    %dma_start3A_439 = tpu.memref_slice %arg3[%dma_start3A_437, %dma_start3A_438] : memref<4000x512xf32, #tpu.memory_space<hbm>> -> memref<4000x512xf32, #tpu.memory_space<hbm>>
    tpu.enqueue_indirect_dma source(%dma_start3A_439 : memref<4000x512xf32, #tpu.memory_space<hbm>>) target(%arg12 : memref<64x512xf32, #tpu.memory_space<vmem>>) offsets(%arg15 : memref<64xi32, #tpu.memory_space<vmem>>) semaphore(%arg18 : memref<!tpu.dma_semaphore, #tpu.memory_space<semaphore_mem>>)
    %dma_wait3A = arith.constant 0 : i32
    %dma_wait3A_440 = arith.constant 0 : i32
    %dma_wait3A_441 = tpu.memref_slice %arg2[%dma_wait3A, %dma_wait3A_440] : memref<400000x512xf32, #tpu.memory_space<hbm>> -> memref<400000x512xf32, #tpu.memory_space<hbm>>
    tpu.wait_indirect_dma semaphore(%arg18 : memref<!tpu.dma_semaphore, #tpu.memory_space<semaphore_mem>>) src(%dma_wait3A_441 : memref<400000x512xf32, #tpu.memory_space<hbm>>) dst(%arg11 : memref<64x512xf32, #tpu.memory_space<vmem>>)
    %dma_wait3A_442 = arith.constant 0 : i32
    %dma_wait3A_443 = arith.constant 0 : i32
    %dma_wait3A_444 = tpu.memref_slice %arg3[%dma_wait3A_442, %dma_wait3A_443] : memref<4000x512xf32, #tpu.memory_space<hbm>> -> memref<4000x512xf32, #tpu.memory_space<hbm>>
    tpu.wait_indirect_dma semaphore(%arg18 : memref<!tpu.dma_semaphore, #tpu.memory_space<semaphore_mem>>) src(%dma_wait3A_444 : memref<4000x512xf32, #tpu.memory_space<hbm>>) dst(%arg12 : memref<64x512xf32, #tpu.memory_space<vmem>>)
    %dma_wait3A_445 = arith.constant 0 : i32
    %dma_wait3A_446 = tpu.memref_slice %arg7[%mul3A_6, %dma_wait3A_445] : memref<78848x512xf32, #tpu.memory_space<hbm>> -> memref<77x512xf32, #tpu.memory_space<hbm>>
    %dma_wait3A_447 = arith.constant 0 : i32
    %dma_wait3A_448 = tpu.memref_slice %arg7[%mul3A_6, %dma_wait3A_447] : memref<78848x512xf32, #tpu.memory_space<hbm>> -> memref<77x512xf32, #tpu.memory_space<hbm>>
    tpu.wait_dma2 semaphore(%arg17 : memref<!tpu.dma_semaphore, #tpu.memory_space<semaphore_mem>>) src(%arg10 : memref<77x512xf32, #tpu.memory_space<vmem>>) dst(%dma_wait3A_448 : memref<77x512xf32, #tpu.memory_space<hbm>>)
    %dma_wait3A_449 = arith.constant 0 : i32
    %dma_wait3A_450 = tpu.memref_slice %arg7[%mul3A_13, %dma_wait3A_449] : memref<78848x512xf32, #tpu.memory_space<hbm>> -> memref<77x512xf32, #tpu.memory_space<hbm>>
    %dma_wait3A_451 = arith.constant 0 : i32
    %dma_wait3A_452 = tpu.memref_slice %arg7[%mul3A_13, %dma_wait3A_451] : memref<78848x512xf32, #tpu.memory_space<hbm>> -> memref<77x512xf32, #tpu.memory_space<hbm>>
    tpu.wait_dma2 semaphore(%arg17 : memref<!tpu.dma_semaphore, #tpu.memory_space<semaphore_mem>>) src(%arg10 : memref<77x512xf32, #tpu.memory_space<vmem>>) dst(%dma_wait3A_452 : memref<77x512xf32, #tpu.memory_space<hbm>>)
    %dma_wait3A_453 = arith.constant 0 : i32
    %dma_wait3A_454 = tpu.memref_slice %arg7[%mul3A_21, %dma_wait3A_453] : memref<78848x512xf32, #tpu.memory_space<hbm>> -> memref<77x512xf32, #tpu.memory_space<hbm>>
    %dma_wait3A_455 = arith.constant 0 : i32
    %dma_wait3A_456 = tpu.memref_slice %arg7[%mul3A_21, %dma_wait3A_455] : memref<78848x512xf32, #tpu.memory_space<hbm>> -> memref<77x512xf32, #tpu.memory_space<hbm>>
    tpu.wait_dma2 semaphore(%arg17 : memref<!tpu.dma_semaphore, #tpu.memory_space<semaphore_mem>>) src(%arg10 : memref<77x512xf32, #tpu.memory_space<vmem>>) dst(%dma_wait3A_456 : memref<77x512xf32, #tpu.memory_space<hbm>>)
    %dma_wait3A_457 = arith.constant 0 : i32
    %dma_wait3A_458 = tpu.memref_slice %arg7[%mul3A_29, %dma_wait3A_457] : memref<78848x512xf32, #tpu.memory_space<hbm>> -> memref<77x512xf32, #tpu.memory_space<hbm>>
    %dma_wait3A_459 = arith.constant 0 : i32
    %dma_wait3A_460 = tpu.memref_slice %arg7[%mul3A_29, %dma_wait3A_459] : memref<78848x512xf32, #tpu.memory_space<hbm>> -> memref<77x512xf32, #tpu.memory_space<hbm>>
    tpu.wait_dma2 semaphore(%arg17 : memref<!tpu.dma_semaphore, #tpu.memory_space<semaphore_mem>>) src(%arg10 : memref<77x512xf32, #tpu.memory_space<vmem>>) dst(%dma_wait3A_460 : memref<77x512xf32, #tpu.memory_space<hbm>>)
    %dma_wait3A_461 = arith.constant 0 : i32
    %dma_wait3A_462 = tpu.memref_slice %arg7[%mul3A_37, %dma_wait3A_461] : memref<78848x512xf32, #tpu.memory_space<hbm>> -> memref<77x512xf32, #tpu.memory_space<hbm>>
    %dma_wait3A_463 = arith.constant 0 : i32
    %dma_wait3A_464 = tpu.memref_slice %arg7[%mul3A_37, %dma_wait3A_463] : memref<78848x512xf32, #tpu.memory_space<hbm>> -> memref<77x512xf32, #tpu.memory_space<hbm>>
    tpu.wait_dma2 semaphore(%arg17 : memref<!tpu.dma_semaphore, #tpu.memory_space<semaphore_mem>>) src(%arg10 : memref<77x512xf32, #tpu.memory_space<vmem>>) dst(%dma_wait3A_464 : memref<77x512xf32, #tpu.memory_space<hbm>>)
    %dma_wait3A_465 = arith.constant 0 : i32
    %dma_wait3A_466 = tpu.memref_slice %arg7[%mul3A_45, %dma_wait3A_465] : memref<78848x512xf32, #tpu.memory_space<hbm>> -> memref<77x512xf32, #tpu.memory_space<hbm>>
    %dma_wait3A_467 = arith.constant 0 : i32
    %dma_wait3A_468 = tpu.memref_slice %arg7[%mul3A_45, %dma_wait3A_467] : memref<78848x512xf32, #tpu.memory_space<hbm>> -> memref<77x512xf32, #tpu.memory_space<hbm>>
    tpu.wait_dma2 semaphore(%arg17 : memref<!tpu.dma_semaphore, #tpu.memory_space<semaphore_mem>>) src(%arg10 : memref<77x512xf32, #tpu.memory_space<vmem>>) dst(%dma_wait3A_468 : memref<77x512xf32, #tpu.memory_space<hbm>>)
    %dma_wait3A_469 = arith.constant 0 : i32
    %dma_wait3A_470 = tpu.memref_slice %arg7[%mul3A_53, %dma_wait3A_469] : memref<78848x512xf32, #tpu.memory_space<hbm>> -> memref<77x512xf32, #tpu.memory_space<hbm>>
    %dma_wait3A_471 = arith.constant 0 : i32
    %dma_wait3A_472 = tpu.memref_slice %arg7[%mul3A_53, %dma_wait3A_471] : memref<78848x512xf32, #tpu.memory_space<hbm>> -> memref<77x512xf32, #tpu.memory_space<hbm>>
    tpu.wait_dma2 semaphore(%arg17 : memref<!tpu.dma_semaphore, #tpu.memory_space<semaphore_mem>>) src(%arg10 : memref<77x512xf32, #tpu.memory_space<vmem>>) dst(%dma_wait3A_472 : memref<77x512xf32, #tpu.memory_space<hbm>>)
    %dma_wait3A_473 = arith.constant 0 : i32
    %dma_wait3A_474 = tpu.memref_slice %arg7[%mul3A_61, %dma_wait3A_473] : memref<78848x512xf32, #tpu.memory_space<hbm>> -> memref<77x512xf32, #tpu.memory_space<hbm>>
    %dma_wait3A_475 = arith.constant 0 : i32
    %dma_wait3A_476 = tpu.memref_slice %arg7[%mul3A_61, %dma_wait3A_475] : memref<78848x512xf32, #tpu.memory_space<hbm>> -> memref<77x512xf32, #tpu.memory_space<hbm>>
    tpu.wait_dma2 semaphore(%arg17 : memref<!tpu.dma_semaphore, #tpu.memory_space<semaphore_mem>>) src(%arg10 : memref<77x512xf32, #tpu.memory_space<vmem>>) dst(%dma_wait3A_476 : memref<77x512xf32, #tpu.memory_space<hbm>>)
    %dma_wait3A_477 = arith.constant 0 : i32
    %dma_wait3A_478 = tpu.memref_slice %arg7[%mul3A_69, %dma_wait3A_477] : memref<78848x512xf32, #tpu.memory_space<hbm>> -> memref<77x512xf32, #tpu.memory_space<hbm>>
    %dma_wait3A_479 = arith.constant 0 : i32
    %dma_wait3A_480 = tpu.memref_slice %arg7[%mul3A_69, %dma_wait3A_479] : memref<78848x512xf32, #tpu.memory_space<hbm>> -> memref<77x512xf32, #tpu.memory_space<hbm>>
    tpu.wait_dma2 semaphore(%arg17 : memref<!tpu.dma_semaphore, #tpu.memory_space<semaphore_mem>>) src(%arg10 : memref<77x512xf32, #tpu.memory_space<vmem>>) dst(%dma_wait3A_480 : memref<77x512xf32, #tpu.memory_space<hbm>>)
    %dma_wait3A_481 = arith.constant 0 : i32
    %dma_wait3A_482 = tpu.memref_slice %arg7[%mul3A_77, %dma_wait3A_481] : memref<78848x512xf32, #tpu.memory_space<hbm>> -> memref<77x512xf32, #tpu.memory_space<hbm>>
    %dma_wait3A_483 = arith.constant 0 : i32
    %dma_wait3A_484 = tpu.memref_slice %arg7[%mul3A_77, %dma_wait3A_483] : memref<78848x512xf32, #tpu.memory_space<hbm>> -> memref<77x512xf32, #tpu.memory_space<hbm>>
    tpu.wait_dma2 semaphore(%arg17 : memref<!tpu.dma_semaphore, #tpu.memory_space<semaphore_mem>>) src(%arg10 : memref<77x512xf32, #tpu.memory_space<vmem>>) dst(%dma_wait3A_484 : memref<77x512xf32, #tpu.memory_space<hbm>>)
    %dma_wait3A_485 = arith.constant 0 : i32
    %dma_wait3A_486 = tpu.memref_slice %arg7[%mul3A_85, %dma_wait3A_485] : memref<78848x512xf32, #tpu.memory_space<hbm>> -> memref<77x512xf32, #tpu.memory_space<hbm>>
    %dma_wait3A_487 = arith.constant 0 : i32
    %dma_wait3A_488 = tpu.memref_slice %arg7[%mul3A_85, %dma_wait3A_487] : memref<78848x512xf32, #tpu.memory_space<hbm>> -> memref<77x512xf32, #tpu.memory_space<hbm>>
    tpu.wait_dma2 semaphore(%arg17 : memref<!tpu.dma_semaphore, #tpu.memory_space<semaphore_mem>>) src(%arg10 : memref<77x512xf32, #tpu.memory_space<vmem>>) dst(%dma_wait3A_488 : memref<77x512xf32, #tpu.memory_space<hbm>>)
    %dma_wait3A_489 = arith.constant 0 : i32
    %dma_wait3A_490 = tpu.memref_slice %arg7[%mul3A_93, %dma_wait3A_489] : memref<78848x512xf32, #tpu.memory_space<hbm>> -> memref<77x512xf32, #tpu.memory_space<hbm>>
    %dma_wait3A_491 = arith.constant 0 : i32
    %dma_wait3A_492 = tpu.memref_slice %arg7[%mul3A_93, %dma_wait3A_491] : memref<78848x512xf32, #tpu.memory_space<hbm>> -> memref<77x512xf32, #tpu.memory_space<hbm>>
    tpu.wait_dma2 semaphore(%arg17 : memref<!tpu.dma_semaphore, #tpu.memory_space<semaphore_mem>>) src(%arg10 : memref<77x512xf32, #tpu.memory_space<vmem>>) dst(%dma_wait3A_492 : memref<77x512xf32, #tpu.memory_space<hbm>>)
    %dma_wait3A_493 = arith.constant 0 : i32
    %dma_wait3A_494 = tpu.memref_slice %arg7[%mul3A_101, %dma_wait3A_493] : memref<78848x512xf32, #tpu.memory_space<hbm>> -> memref<77x512xf32, #tpu.memory_space<hbm>>
    %dma_wait3A_495 = arith.constant 0 : i32
    %dma_wait3A_496 = tpu.memref_slice %arg7[%mul3A_101, %dma_wait3A_495] : memref<78848x512xf32, #tpu.memory_space<hbm>> -> memref<77x512xf32, #tpu.memory_space<hbm>>
    tpu.wait_dma2 semaphore(%arg17 : memref<!tpu.dma_semaphore, #tpu.memory_space<semaphore_mem>>) src(%arg10 : memref<77x512xf32, #tpu.memory_space<vmem>>) dst(%dma_wait3A_496 : memref<77x512xf32, #tpu.memory_space<hbm>>)
    %dma_wait3A_497 = arith.constant 0 : i32
    %dma_wait3A_498 = tpu.memref_slice %arg7[%mul3A_109, %dma_wait3A_497] : memref<78848x512xf32, #tpu.memory_space<hbm>> -> memref<77x512xf32, #tpu.memory_space<hbm>>
    %dma_wait3A_499 = arith.constant 0 : i32
    %dma_wait3A_500 = tpu.memref_slice %arg7[%mul3A_109, %dma_wait3A_499] : memref<78848x512xf32, #tpu.memory_space<hbm>> -> memref<77x512xf32, #tpu.memory_space<hbm>>
    tpu.wait_dma2 semaphore(%arg17 : memref<!tpu.dma_semaphore, #tpu.memory_space<semaphore_mem>>) src(%arg10 : memref<77x512xf32, #tpu.memory_space<vmem>>) dst(%dma_wait3A_500 : memref<77x512xf32, #tpu.memory_space<hbm>>)
    %dma_wait3A_501 = arith.constant 0 : i32
    %dma_wait3A_502 = tpu.memref_slice %arg7[%mul3A_117, %dma_wait3A_501] : memref<78848x512xf32, #tpu.memory_space<hbm>> -> memref<77x512xf32, #tpu.memory_space<hbm>>
    %dma_wait3A_503 = arith.constant 0 : i32
    %dma_wait3A_504 = tpu.memref_slice %arg7[%mul3A_117, %dma_wait3A_503] : memref<78848x512xf32, #tpu.memory_space<hbm>> -> memref<77x512xf32, #tpu.memory_space<hbm>>
    tpu.wait_dma2 semaphore(%arg17 : memref<!tpu.dma_semaphore, #tpu.memory_space<semaphore_mem>>) src(%arg10 : memref<77x512xf32, #tpu.memory_space<vmem>>) dst(%dma_wait3A_504 : memref<77x512xf32, #tpu.memory_space<hbm>>)
    %dma_wait3A_505 = arith.constant 0 : i32
    %dma_wait3A_506 = tpu.memref_slice %arg7[%mul3A_125, %dma_wait3A_505] : memref<78848x512xf32, #tpu.memory_space<hbm>> -> memref<77x512xf32, #tpu.memory_space<hbm>>
    %dma_wait3A_507 = arith.constant 0 : i32
    %dma_wait3A_508 = tpu.memref_slice %arg7[%mul3A_125, %dma_wait3A_507] : memref<78848x512xf32, #tpu.memory_space<hbm>> -> memref<77x512xf32, #tpu.memory_space<hbm>>
    tpu.wait_dma2 semaphore(%arg17 : memref<!tpu.dma_semaphore, #tpu.memory_space<semaphore_mem>>) src(%arg10 : memref<77x512xf32, #tpu.memory_space<vmem>>) dst(%dma_wait3A_508 : memref<77x512xf32, #tpu.memory_space<hbm>>)
    %dma_wait3A_509 = arith.constant 0 : i32
    %dma_wait3A_510 = tpu.memref_slice %arg7[%mul3A_133, %dma_wait3A_509] : memref<78848x512xf32, #tpu.memory_space<hbm>> -> memref<77x512xf32, #tpu.memory_space<hbm>>
    %dma_wait3A_511 = arith.constant 0 : i32
    %dma_wait3A_512 = tpu.memref_slice %arg7[%mul3A_133, %dma_wait3A_511] : memref<78848x512xf32, #tpu.memory_space<hbm>> -> memref<77x512xf32, #tpu.memory_space<hbm>>
    tpu.wait_dma2 semaphore(%arg17 : memref<!tpu.dma_semaphore, #tpu.memory_space<semaphore_mem>>) src(%arg10 : memref<77x512xf32, #tpu.memory_space<vmem>>) dst(%dma_wait3A_512 : memref<77x512xf32, #tpu.memory_space<hbm>>)
    %dma_wait3A_513 = arith.constant 0 : i32
    %dma_wait3A_514 = tpu.memref_slice %arg7[%mul3A_141, %dma_wait3A_513] : memref<78848x512xf32, #tpu.memory_space<hbm>> -> memref<77x512xf32, #tpu.memory_space<hbm>>
    %dma_wait3A_515 = arith.constant 0 : i32
    %dma_wait3A_516 = tpu.memref_slice %arg7[%mul3A_141, %dma_wait3A_515] : memref<78848x512xf32, #tpu.memory_space<hbm>> -> memref<77x512xf32, #tpu.memory_space<hbm>>
    tpu.wait_dma2 semaphore(%arg17 : memref<!tpu.dma_semaphore, #tpu.memory_space<semaphore_mem>>) src(%arg10 : memref<77x512xf32, #tpu.memory_space<vmem>>) dst(%dma_wait3A_516 : memref<77x512xf32, #tpu.memory_space<hbm>>)
    %dma_wait3A_517 = arith.constant 0 : i32
    %dma_wait3A_518 = tpu.memref_slice %arg7[%mul3A_149, %dma_wait3A_517] : memref<78848x512xf32, #tpu.memory_space<hbm>> -> memref<77x512xf32, #tpu.memory_space<hbm>>
    %dma_wait3A_519 = arith.constant 0 : i32
    %dma_wait3A_520 = tpu.memref_slice %arg7[%mul3A_149, %dma_wait3A_519] : memref<78848x512xf32, #tpu.memory_space<hbm>> -> memref<77x512xf32, #tpu.memory_space<hbm>>
    tpu.wait_dma2 semaphore(%arg17 : memref<!tpu.dma_semaphore, #tpu.memory_space<semaphore_mem>>) src(%arg10 : memref<77x512xf32, #tpu.memory_space<vmem>>) dst(%dma_wait3A_520 : memref<77x512xf32, #tpu.memory_space<hbm>>)
    %dma_wait3A_521 = arith.constant 0 : i32
    %dma_wait3A_522 = tpu.memref_slice %arg7[%mul3A_157, %dma_wait3A_521] : memref<78848x512xf32, #tpu.memory_space<hbm>> -> memref<77x512xf32, #tpu.memory_space<hbm>>
    %dma_wait3A_523 = arith.constant 0 : i32
    %dma_wait3A_524 = tpu.memref_slice %arg7[%mul3A_157, %dma_wait3A_523] : memref<78848x512xf32, #tpu.memory_space<hbm>> -> memref<77x512xf32, #tpu.memory_space<hbm>>
    tpu.wait_dma2 semaphore(%arg17 : memref<!tpu.dma_semaphore, #tpu.memory_space<semaphore_mem>>) src(%arg10 : memref<77x512xf32, #tpu.memory_space<vmem>>) dst(%dma_wait3A_524 : memref<77x512xf32, #tpu.memory_space<hbm>>)
    %dma_wait3A_525 = arith.constant 0 : i32
    %dma_wait3A_526 = tpu.memref_slice %arg7[%mul3A_165, %dma_wait3A_525] : memref<78848x512xf32, #tpu.memory_space<hbm>> -> memref<77x512xf32, #tpu.memory_space<hbm>>
    %dma_wait3A_527 = arith.constant 0 : i32
    %dma_wait3A_528 = tpu.memref_slice %arg7[%mul3A_165, %dma_wait3A_527] : memref<78848x512xf32, #tpu.memory_space<hbm>> -> memref<77x512xf32, #tpu.memory_space<hbm>>
    tpu.wait_dma2 semaphore(%arg17 : memref<!tpu.dma_semaphore, #tpu.memory_space<semaphore_mem>>) src(%arg10 : memref<77x512xf32, #tpu.memory_space<vmem>>) dst(%dma_wait3A_528 : memref<77x512xf32, #tpu.memory_space<hbm>>)
    %dma_wait3A_529 = arith.constant 0 : i32
    %dma_wait3A_530 = tpu.memref_slice %arg7[%mul3A_173, %dma_wait3A_529] : memref<78848x512xf32, #tpu.memory_space<hbm>> -> memref<77x512xf32, #tpu.memory_space<hbm>>
    %dma_wait3A_531 = arith.constant 0 : i32
    %dma_wait3A_532 = tpu.memref_slice %arg7[%mul3A_173, %dma_wait3A_531] : memref<78848x512xf32, #tpu.memory_space<hbm>> -> memref<77x512xf32, #tpu.memory_space<hbm>>
    tpu.wait_dma2 semaphore(%arg17 : memref<!tpu.dma_semaphore, #tpu.memory_space<semaphore_mem>>) src(%arg10 : memref<77x512xf32, #tpu.memory_space<vmem>>) dst(%dma_wait3A_532 : memref<77x512xf32, #tpu.memory_space<hbm>>)
    %dma_wait3A_533 = arith.constant 0 : i32
    %dma_wait3A_534 = tpu.memref_slice %arg7[%mul3A_181, %dma_wait3A_533] : memref<78848x512xf32, #tpu.memory_space<hbm>> -> memref<77x512xf32, #tpu.memory_space<hbm>>
    %dma_wait3A_535 = arith.constant 0 : i32
    %dma_wait3A_536 = tpu.memref_slice %arg7[%mul3A_181, %dma_wait3A_535] : memref<78848x512xf32, #tpu.memory_space<hbm>> -> memref<77x512xf32, #tpu.memory_space<hbm>>
    tpu.wait_dma2 semaphore(%arg17 : memref<!tpu.dma_semaphore, #tpu.memory_space<semaphore_mem>>) src(%arg10 : memref<77x512xf32, #tpu.memory_space<vmem>>) dst(%dma_wait3A_536 : memref<77x512xf32, #tpu.memory_space<hbm>>)
    %dma_wait3A_537 = arith.constant 0 : i32
    %dma_wait3A_538 = tpu.memref_slice %arg7[%mul3A_189, %dma_wait3A_537] : memref<78848x512xf32, #tpu.memory_space<hbm>> -> memref<77x512xf32, #tpu.memory_space<hbm>>
    %dma_wait3A_539 = arith.constant 0 : i32
    %dma_wait3A_540 = tpu.memref_slice %arg7[%mul3A_189, %dma_wait3A_539] : memref<78848x512xf32, #tpu.memory_space<hbm>> -> memref<77x512xf32, #tpu.memory_space<hbm>>
    tpu.wait_dma2 semaphore(%arg17 : memref<!tpu.dma_semaphore, #tpu.memory_space<semaphore_mem>>) src(%arg10 : memref<77x512xf32, #tpu.memory_space<vmem>>) dst(%dma_wait3A_540 : memref<77x512xf32, #tpu.memory_space<hbm>>)
    %dma_wait3A_541 = arith.constant 0 : i32
    %dma_wait3A_542 = tpu.memref_slice %arg7[%mul3A_197, %dma_wait3A_541] : memref<78848x512xf32, #tpu.memory_space<hbm>> -> memref<77x512xf32, #tpu.memory_space<hbm>>
    %dma_wait3A_543 = arith.constant 0 : i32
    %dma_wait3A_544 = tpu.memref_slice %arg7[%mul3A_197, %dma_wait3A_543] : memref<78848x512xf32, #tpu.memory_space<hbm>> -> memref<77x512xf32, #tpu.memory_space<hbm>>
    tpu.wait_dma2 semaphore(%arg17 : memref<!tpu.dma_semaphore, #tpu.memory_space<semaphore_mem>>) src(%arg10 : memref<77x512xf32, #tpu.memory_space<vmem>>) dst(%dma_wait3A_544 : memref<77x512xf32, #tpu.memory_space<hbm>>)
    %dma_wait3A_545 = arith.constant 0 : i32
    %dma_wait3A_546 = tpu.memref_slice %arg7[%mul3A_205, %dma_wait3A_545] : memref<78848x512xf32, #tpu.memory_space<hbm>> -> memref<77x512xf32, #tpu.memory_space<hbm>>
    %dma_wait3A_547 = arith.constant 0 : i32
    %dma_wait3A_548 = tpu.memref_slice %arg7[%mul3A_205, %dma_wait3A_547] : memref<78848x512xf32, #tpu.memory_space<hbm>> -> memref<77x512xf32, #tpu.memory_space<hbm>>
    tpu.wait_dma2 semaphore(%arg17 : memref<!tpu.dma_semaphore, #tpu.memory_space<semaphore_mem>>) src(%arg10 : memref<77x512xf32, #tpu.memory_space<vmem>>) dst(%dma_wait3A_548 : memref<77x512xf32, #tpu.memory_space<hbm>>)
    %dma_wait3A_549 = arith.constant 0 : i32
    %dma_wait3A_550 = tpu.memref_slice %arg7[%mul3A_213, %dma_wait3A_549] : memref<78848x512xf32, #tpu.memory_space<hbm>> -> memref<77x512xf32, #tpu.memory_space<hbm>>
    %dma_wait3A_551 = arith.constant 0 : i32
    %dma_wait3A_552 = tpu.memref_slice %arg7[%mul3A_213, %dma_wait3A_551] : memref<78848x512xf32, #tpu.memory_space<hbm>> -> memref<77x512xf32, #tpu.memory_space<hbm>>
    tpu.wait_dma2 semaphore(%arg17 : memref<!tpu.dma_semaphore, #tpu.memory_space<semaphore_mem>>) src(%arg10 : memref<77x512xf32, #tpu.memory_space<vmem>>) dst(%dma_wait3A_552 : memref<77x512xf32, #tpu.memory_space<hbm>>)
    %dma_wait3A_553 = arith.constant 0 : i32
    %dma_wait3A_554 = tpu.memref_slice %arg7[%mul3A_221, %dma_wait3A_553] : memref<78848x512xf32, #tpu.memory_space<hbm>> -> memref<77x512xf32, #tpu.memory_space<hbm>>
    %dma_wait3A_555 = arith.constant 0 : i32
    %dma_wait3A_556 = tpu.memref_slice %arg7[%mul3A_221, %dma_wait3A_555] : memref<78848x512xf32, #tpu.memory_space<hbm>> -> memref<77x512xf32, #tpu.memory_space<hbm>>
    tpu.wait_dma2 semaphore(%arg17 : memref<!tpu.dma_semaphore, #tpu.memory_space<semaphore_mem>>) src(%arg10 : memref<77x512xf32, #tpu.memory_space<vmem>>) dst(%dma_wait3A_556 : memref<77x512xf32, #tpu.memory_space<hbm>>)
    %dma_wait3A_557 = arith.constant 0 : i32
    %dma_wait3A_558 = tpu.memref_slice %arg7[%mul3A_229, %dma_wait3A_557] : memref<78848x512xf32, #tpu.memory_space<hbm>> -> memref<77x512xf32, #tpu.memory_space<hbm>>
    %dma_wait3A_559 = arith.constant 0 : i32
    %dma_wait3A_560 = tpu.memref_slice %arg7[%mul3A_229, %dma_wait3A_559] : memref<78848x512xf32, #tpu.memory_space<hbm>> -> memref<77x512xf32, #tpu.memory_space<hbm>>
    tpu.wait_dma2 semaphore(%arg17 : memref<!tpu.dma_semaphore, #tpu.memory_space<semaphore_mem>>) src(%arg10 : memref<77x512xf32, #tpu.memory_space<vmem>>) dst(%dma_wait3A_560 : memref<77x512xf32, #tpu.memory_space<hbm>>)
    %dma_wait3A_561 = arith.constant 0 : i32
    %dma_wait3A_562 = tpu.memref_slice %arg7[%mul3A_237, %dma_wait3A_561] : memref<78848x512xf32, #tpu.memory_space<hbm>> -> memref<77x512xf32, #tpu.memory_space<hbm>>
    %dma_wait3A_563 = arith.constant 0 : i32
    %dma_wait3A_564 = tpu.memref_slice %arg7[%mul3A_237, %dma_wait3A_563] : memref<78848x512xf32, #tpu.memory_space<hbm>> -> memref<77x512xf32, #tpu.memory_space<hbm>>
    tpu.wait_dma2 semaphore(%arg17 : memref<!tpu.dma_semaphore, #tpu.memory_space<semaphore_mem>>) src(%arg10 : memref<77x512xf32, #tpu.memory_space<vmem>>) dst(%dma_wait3A_564 : memref<77x512xf32, #tpu.memory_space<hbm>>)
    %dma_wait3A_565 = arith.constant 0 : i32
    %dma_wait3A_566 = tpu.memref_slice %arg7[%mul3A_245, %dma_wait3A_565] : memref<78848x512xf32, #tpu.memory_space<hbm>> -> memref<77x512xf32, #tpu.memory_space<hbm>>
    %dma_wait3A_567 = arith.constant 0 : i32
    %dma_wait3A_568 = tpu.memref_slice %arg7[%mul3A_245, %dma_wait3A_567] : memref<78848x512xf32, #tpu.memory_space<hbm>> -> memref<77x512xf32, #tpu.memory_space<hbm>>
    tpu.wait_dma2 semaphore(%arg17 : memref<!tpu.dma_semaphore, #tpu.memory_space<semaphore_mem>>) src(%arg10 : memref<77x512xf32, #tpu.memory_space<vmem>>) dst(%dma_wait3A_568 : memref<77x512xf32, #tpu.memory_space<hbm>>)
    %dma_wait3A_569 = arith.constant 0 : i32
    %dma_wait3A_570 = tpu.memref_slice %arg7[%mul3A_253, %dma_wait3A_569] : memref<78848x512xf32, #tpu.memory_space<hbm>> -> memref<77x512xf32, #tpu.memory_space<hbm>>
    %dma_wait3A_571 = arith.constant 0 : i32
    %dma_wait3A_572 = tpu.memref_slice %arg7[%mul3A_253, %dma_wait3A_571] : memref<78848x512xf32, #tpu.memory_space<hbm>> -> memref<77x512xf32, #tpu.memory_space<hbm>>
    tpu.wait_dma2 semaphore(%arg17 : memref<!tpu.dma_semaphore, #tpu.memory_space<semaphore_mem>>) src(%arg10 : memref<77x512xf32, #tpu.memory_space<vmem>>) dst(%dma_wait3A_572 : memref<77x512xf32, #tpu.memory_space<hbm>>)
    %dma_start3A_573 = arith.constant 0 : i32
    %dma_start3A_574 = arith.constant 0 : i32
    %dma_start3A_575 = tpu.memref_slice %arg7[%dma_start3A_573, %dma_start3A_574] : memref<78848x512xf32, #tpu.memory_space<hbm>> -> memref<78848x512xf32, #tpu.memory_space<hbm>>
    tpu.enqueue_indirect_dma source(%arg11 : memref<64x512xf32, #tpu.memory_space<vmem>>) target(%dma_start3A_575 : memref<78848x512xf32, #tpu.memory_space<hbm>>) offsets(%arg14 : memref<64xi32, #tpu.memory_space<vmem>>) semaphore(%arg19 : memref<!tpu.dma_semaphore, #tpu.memory_space<semaphore_mem>>)
    %dma_start3A_576 = arith.constant 0 : i32
    %dma_start3A_577 = arith.constant 0 : i32
    %dma_start3A_578 = tpu.memref_slice %arg7[%dma_start3A_576, %dma_start3A_577] : memref<78848x512xf32, #tpu.memory_space<hbm>> -> memref<78848x512xf32, #tpu.memory_space<hbm>>
    tpu.enqueue_indirect_dma source(%arg12 : memref<64x512xf32, #tpu.memory_space<vmem>>) target(%dma_start3A_578 : memref<78848x512xf32, #tpu.memory_space<hbm>>) offsets(%arg16 : memref<64xi32, #tpu.memory_space<vmem>>) semaphore(%arg19 : memref<!tpu.dma_semaphore, #tpu.memory_space<semaphore_mem>>)
    %dma_wait3A_579 = arith.constant 0 : i32
    %dma_wait3A_580 = arith.constant 0 : i32
    %dma_wait3A_581 = tpu.memref_slice %arg7[%dma_wait3A_579, %dma_wait3A_580] : memref<78848x512xf32, #tpu.memory_space<hbm>> -> memref<78848x512xf32, #tpu.memory_space<hbm>>
    tpu.wait_indirect_dma semaphore(%arg19 : memref<!tpu.dma_semaphore, #tpu.memory_space<semaphore_mem>>) src(%arg11 : memref<64x512xf32, #tpu.memory_space<vmem>>) dst(%dma_wait3A_581 : memref<78848x512xf32, #tpu.memory_space<hbm>>)
    %dma_wait3A_582 = arith.constant 0 : i32
    %dma_wait3A_583 = arith.constant 0 : i32
    %dma_wait3A_584 = tpu.memref_slice %arg7[%dma_wait3A_582, %dma_wait3A_583] : memref<78848x512xf32, #tpu.memory_space<hbm>> -> memref<78848x512xf32, #tpu.memory_space<hbm>>
    tpu.wait_indirect_dma semaphore(%arg19 : memref<!tpu.dma_semaphore, #tpu.memory_space<semaphore_mem>>) src(%arg12 : memref<64x512xf32, #tpu.memory_space<vmem>>) dst(%dma_wait3A_584 : memref<78848x512xf32, #tpu.memory_space<hbm>>)
    %add3A_585 = arith.constant 0 : i32
    %add3A_586 = vector.broadcast %add3A_585 : i32 to vector<16xi32>
    %add3A_587 = arith.addi %add3A_586, %iota3A : vector<16xi32>
    %shift_right_arithmetic3A_588 = arith.constant 2 : i32
    %shift_right_arithmetic3A_589 = vector.broadcast %shift_right_arithmetic3A_588 : i32 to vector<16xi32>
    %shift_right_arithmetic3A_590 = arith.shrsi %add3A_587, %shift_right_arithmetic3A_589 : vector<16xi32>
    %and3A_591 = arith.constant 3 : i32
    %and3A_592 = vector.broadcast %and3A_591 : i32 to vector<16xi32>
    %and3A_593 = arith.andi %add3A_587, %and3A_592 : vector<16xi32>
    %add3A_594 = arith.constant 16 : i32
    %add3A_595 = vector.broadcast %add3A_594 : i32 to vector<16xi32>
    %add3A_596 = arith.addi %add3A_595, %shift_right_arithmetic3A_590 : vector<16xi32>
    %gather3A_597 = tpu.vector_load_idx %arg8[%add3A_596] : memref<32xi32, #tpu.memory_space<vmem>>[vector<16xi32>], vector<16xi32>,
    %gather3A_598 = tpu.vector_load_idx %arg9[%add3A_596] : memref<32xi32, #tpu.memory_space<vmem>>[vector<16xi32>], vector<16xi32>,
    %add3A_599 = arith.constant 16 : i32
    %add3A_600 = arith.addi %mul3A_2, %add3A_599 : i32
    %add3A_601 = vector.broadcast %add3A_600 : i32 to vector<16xi32>
    %add3A_602 = arith.addi %add3A_601, %shift_right_arithmetic3A_590 : vector<16xi32>
    %mul3A_603 = arith.constant 77 : i32
    %mul3A_604 = vector.broadcast %mul3A_603 : i32 to vector<16xi32>
    %mul3A_605 = arith.muli %add3A_602, %mul3A_604 : vector<16xi32>
    %mul3A_606 = arith.constant 4 : i32
    %mul3A_607 = vector.broadcast %mul3A_606 : i32 to vector<16xi32>
    %mul3A_608 = arith.muli %mul3A_607, %gather3A_597 : vector<16xi32>
    %add3A_609 = arith.addi %mul3A_608, %and3A_593 : vector<16xi32>
    %swap3A_610 = arith.constant 0 : index
    %swap3A_611 = tpu.vector_load %arg13[%swap3A_610] {strides = array<i32>} : memref<64xi32, #tpu.memory_space<vmem>>, vector<16xi32>,
    tpu.vector_store %arg13[%swap3A_610], %add3A_609 {strides = array<i32>} : memref<64xi32, #tpu.memory_space<vmem>>, vector<16xi32>,
    %mul3A_612 = arith.constant 4 : i32
    %mul3A_613 = vector.broadcast %mul3A_612 : i32 to vector<16xi32>
    %mul3A_614 = arith.muli %mul3A_613, %gather3A_598 : vector<16xi32>
    %add3A_615 = arith.addi %mul3A_614, %and3A_593 : vector<16xi32>
    %swap3A_616 = arith.constant 0 : index
    %swap3A_617 = tpu.vector_load %arg15[%swap3A_616] {strides = array<i32>} : memref<64xi32, #tpu.memory_space<vmem>>, vector<16xi32>,
    tpu.vector_store %arg15[%swap3A_616], %add3A_615 {strides = array<i32>} : memref<64xi32, #tpu.memory_space<vmem>>, vector<16xi32>,
    %add3A_618 = arith.constant 5 : i32
    %add3A_619 = vector.broadcast %add3A_618 : i32 to vector<16xi32>
    %add3A_620 = arith.addi %mul3A_605, %add3A_619 : vector<16xi32>
    %add3A_621 = arith.addi %add3A_620, %and3A_593 : vector<16xi32>
    %swap3A_622 = arith.constant 0 : index
    %swap3A_623 = tpu.vector_load %arg14[%swap3A_622] {strides = array<i32>} : memref<64xi32, #tpu.memory_space<vmem>>, vector<16xi32>,
    tpu.vector_store %arg14[%swap3A_622], %add3A_621 {strides = array<i32>} : memref<64xi32, #tpu.memory_space<vmem>>, vector<16xi32>,
    %add3A_624 = arith.constant 11 : i32
    %add3A_625 = vector.broadcast %add3A_624 : i32 to vector<16xi32>
    %add3A_626 = arith.addi %mul3A_605, %add3A_625 : vector<16xi32>
    %add3A_627 = arith.addi %add3A_626, %and3A_593 : vector<16xi32>
    %swap3A_628 = arith.constant 0 : index
    %swap3A_629 = tpu.vector_load %arg16[%swap3A_628] {strides = array<i32>} : memref<64xi32, #tpu.memory_space<vmem>>, vector<16xi32>,
    tpu.vector_store %arg16[%swap3A_628], %add3A_627 {strides = array<i32>} : memref<64xi32, #tpu.memory_space<vmem>>, vector<16xi32>,
    %add3A_630 = arith.constant 16 : i32
    %add3A_631 = vector.broadcast %add3A_630 : i32 to vector<16xi32>
    %add3A_632 = arith.addi %add3A_631, %iota3A : vector<16xi32>
    %shift_right_arithmetic3A_633 = arith.constant 2 : i32
    %shift_right_arithmetic3A_634 = vector.broadcast %shift_right_arithmetic3A_633 : i32 to vector<16xi32>
    %shift_right_arithmetic3A_635 = arith.shrsi %add3A_632, %shift_right_arithmetic3A_634 : vector<16xi32>
    %and3A_636 = arith.constant 3 : i32
    %and3A_637 = vector.broadcast %and3A_636 : i32 to vector<16xi32>
    %and3A_638 = arith.andi %add3A_632, %and3A_637 : vector<16xi32>
    %add3A_639 = arith.constant 16 : i32
    %add3A_640 = vector.broadcast %add3A_639 : i32 to vector<16xi32>
    %add3A_641 = arith.addi %add3A_640, %shift_right_arithmetic3A_635 : vector<16xi32>
    %gather3A_642 = tpu.vector_load_idx %arg8[%add3A_641] : memref<32xi32, #tpu.memory_space<vmem>>[vector<16xi32>], vector<16xi32>,
    %gather3A_643 = tpu.vector_load_idx %arg9[%add3A_641] : memref<32xi32, #tpu.memory_space<vmem>>[vector<16xi32>], vector<16xi32>,
    %add3A_644 = arith.constant 16 : i32
    %add3A_645 = arith.addi %mul3A_2, %add3A_644 : i32
    %add3A_646 = vector.broadcast %add3A_645 : i32 to vector<16xi32>
    %add3A_647 = arith.addi %add3A_646, %shift_right_arithmetic3A_635 : vector<16xi32>
    %mul3A_648 = arith.constant 77 : i32
    %mul3A_649 = vector.broadcast %mul3A_648 : i32 to vector<16xi32>
    %mul3A_650 = arith.muli %add3A_647, %mul3A_649 : vector<16xi32>
    %mul3A_651 = arith.constant 4 : i32
    %mul3A_652 = vector.broadcast %mul3A_651 : i32 to vector<16xi32>
    %mul3A_653 = arith.muli %mul3A_652, %gather3A_642 : vector<16xi32>
    %add3A_654 = arith.addi %mul3A_653, %and3A_638 : vector<16xi32>
    %swap3A_655 = arith.constant 16 : index
    %swap3A_656 = tpu.vector_load %arg13[%swap3A_655] {strides = array<i32>} : memref<64xi32, #tpu.memory_space<vmem>>, vector<16xi32>,
    tpu.vector_store %arg13[%swap3A_655], %add3A_654 {strides = array<i32>} : memref<64xi32, #tpu.memory_space<vmem>>, vector<16xi32>,
    %mul3A_657 = arith.constant 4 : i32
    %mul3A_658 = vector.broadcast %mul3A_657 : i32 to vector<16xi32>
    %mul3A_659 = arith.muli %mul3A_658, %gather3A_643 : vector<16xi32>
    %add3A_660 = arith.addi %mul3A_659, %and3A_638 : vector<16xi32>
    %swap3A_661 = arith.constant 16 : index
    %swap3A_662 = tpu.vector_load %arg15[%swap3A_661] {strides = array<i32>} : memref<64xi32, #tpu.memory_space<vmem>>, vector<16xi32>,
    tpu.vector_store %arg15[%swap3A_661], %add3A_660 {strides = array<i32>} : memref<64xi32, #tpu.memory_space<vmem>>, vector<16xi32>,
    %add3A_663 = arith.constant 5 : i32
    %add3A_664 = vector.broadcast %add3A_663 : i32 to vector<16xi32>
    %add3A_665 = arith.addi %mul3A_650, %add3A_664 : vector<16xi32>
    %add3A_666 = arith.addi %add3A_665, %and3A_638 : vector<16xi32>
    %swap3A_667 = arith.constant 16 : index
    %swap3A_668 = tpu.vector_load %arg14[%swap3A_667] {strides = array<i32>} : memref<64xi32, #tpu.memory_space<vmem>>, vector<16xi32>,
    tpu.vector_store %arg14[%swap3A_667], %add3A_666 {strides = array<i32>} : memref<64xi32, #tpu.memory_space<vmem>>, vector<16xi32>,
    %add3A_669 = arith.constant 11 : i32
    %add3A_670 = vector.broadcast %add3A_669 : i32 to vector<16xi32>
    %add3A_671 = arith.addi %mul3A_650, %add3A_670 : vector<16xi32>
    %add3A_672 = arith.addi %add3A_671, %and3A_638 : vector<16xi32>
    %swap3A_673 = arith.constant 16 : index
    %swap3A_674 = tpu.vector_load %arg16[%swap3A_673] {strides = array<i32>} : memref<64xi32, #tpu.memory_space<vmem>>, vector<16xi32>,
    tpu.vector_store %arg16[%swap3A_673], %add3A_672 {strides = array<i32>} : memref<64xi32, #tpu.memory_space<vmem>>, vector<16xi32>,
    %add3A_675 = arith.constant 32 : i32
    %add3A_676 = vector.broadcast %add3A_675 : i32 to vector<16xi32>
    %add3A_677 = arith.addi %add3A_676, %iota3A : vector<16xi32>
    %shift_right_arithmetic3A_678 = arith.constant 2 : i32
    %shift_right_arithmetic3A_679 = vector.broadcast %shift_right_arithmetic3A_678 : i32 to vector<16xi32>
    %shift_right_arithmetic3A_680 = arith.shrsi %add3A_677, %shift_right_arithmetic3A_679 : vector<16xi32>
    %and3A_681 = arith.constant 3 : i32
    %and3A_682 = vector.broadcast %and3A_681 : i32 to vector<16xi32>
    %and3A_683 = arith.andi %add3A_677, %and3A_682 : vector<16xi32>
    %add3A_684 = arith.constant 16 : i32
    %add3A_685 = vector.broadcast %add3A_684 : i32 to vector<16xi32>
    %add3A_686 = arith.addi %add3A_685, %shift_right_arithmetic3A_680 : vector<16xi32>
    %gather3A_687 = tpu.vector_load_idx %arg8[%add3A_686] : memref<32xi32, #tpu.memory_space<vmem>>[vector<16xi32>], vector<16xi32>,
    %gather3A_688 = tpu.vector_load_idx %arg9[%add3A_686] : memref<32xi32, #tpu.memory_space<vmem>>[vector<16xi32>], vector<16xi32>,
    %add3A_689 = arith.constant 16 : i32
    %add3A_690 = arith.addi %mul3A_2, %add3A_689 : i32
    %add3A_691 = vector.broadcast %add3A_690 : i32 to vector<16xi32>
    %add3A_692 = arith.addi %add3A_691, %shift_right_arithmetic3A_680 : vector<16xi32>
    %mul3A_693 = arith.constant 77 : i32
    %mul3A_694 = vector.broadcast %mul3A_693 : i32 to vector<16xi32>
    %mul3A_695 = arith.muli %add3A_692, %mul3A_694 : vector<16xi32>
    %mul3A_696 = arith.constant 4 : i32
    %mul3A_697 = vector.broadcast %mul3A_696 : i32 to vector<16xi32>
    %mul3A_698 = arith.muli %mul3A_697, %gather3A_687 : vector<16xi32>
    %add3A_699 = arith.addi %mul3A_698, %and3A_683 : vector<16xi32>
    %swap3A_700 = arith.constant 32 : index
    %swap3A_701 = tpu.vector_load %arg13[%swap3A_700] {strides = array<i32>} : memref<64xi32, #tpu.memory_space<vmem>>, vector<16xi32>,
    tpu.vector_store %arg13[%swap3A_700], %add3A_699 {strides = array<i32>} : memref<64xi32, #tpu.memory_space<vmem>>, vector<16xi32>,
    %mul3A_702 = arith.constant 4 : i32
    %mul3A_703 = vector.broadcast %mul3A_702 : i32 to vector<16xi32>
    %mul3A_704 = arith.muli %mul3A_703, %gather3A_688 : vector<16xi32>
    %add3A_705 = arith.addi %mul3A_704, %and3A_683 : vector<16xi32>
    %swap3A_706 = arith.constant 32 : index
    %swap3A_707 = tpu.vector_load %arg15[%swap3A_706] {strides = array<i32>} : memref<64xi32, #tpu.memory_space<vmem>>, vector<16xi32>,
    tpu.vector_store %arg15[%swap3A_706], %add3A_705 {strides = array<i32>} : memref<64xi32, #tpu.memory_space<vmem>>, vector<16xi32>,
    %add3A_708 = arith.constant 5 : i32
    %add3A_709 = vector.broadcast %add3A_708 : i32 to vector<16xi32>
    %add3A_710 = arith.addi %mul3A_695, %add3A_709 : vector<16xi32>
    %add3A_711 = arith.addi %add3A_710, %and3A_683 : vector<16xi32>
    %swap3A_712 = arith.constant 32 : index
    %swap3A_713 = tpu.vector_load %arg14[%swap3A_712] {strides = array<i32>} : memref<64xi32, #tpu.memory_space<vmem>>, vector<16xi32>,
    tpu.vector_store %arg14[%swap3A_712], %add3A_711 {strides = array<i32>} : memref<64xi32, #tpu.memory_space<vmem>>, vector<16xi32>,
    %add3A_714 = arith.constant 11 : i32
    %add3A_715 = vector.broadcast %add3A_714 : i32 to vector<16xi32>
    %add3A_716 = arith.addi %mul3A_695, %add3A_715 : vector<16xi32>
    %add3A_717 = arith.addi %add3A_716, %and3A_683 : vector<16xi32>
    %swap3A_718 = arith.constant 32 : index
    %swap3A_719 = tpu.vector_load %arg16[%swap3A_718] {strides = array<i32>} : memref<64xi32, #tpu.memory_space<vmem>>, vector<16xi32>,
    tpu.vector_store %arg16[%swap3A_718], %add3A_717 {strides = array<i32>} : memref<64xi32, #tpu.memory_space<vmem>>, vector<16xi32>,
    %add3A_720 = arith.constant 48 : i32
    %add3A_721 = vector.broadcast %add3A_720 : i32 to vector<16xi32>
    %add3A_722 = arith.addi %add3A_721, %iota3A : vector<16xi32>
    %shift_right_arithmetic3A_723 = arith.constant 2 : i32
    %shift_right_arithmetic3A_724 = vector.broadcast %shift_right_arithmetic3A_723 : i32 to vector<16xi32>
    %shift_right_arithmetic3A_725 = arith.shrsi %add3A_722, %shift_right_arithmetic3A_724 : vector<16xi32>
    %and3A_726 = arith.constant 3 : i32
    %and3A_727 = vector.broadcast %and3A_726 : i32 to vector<16xi32>
    %and3A_728 = arith.andi %add3A_722, %and3A_727 : vector<16xi32>
    %add3A_729 = arith.constant 16 : i32
    %add3A_730 = vector.broadcast %add3A_729 : i32 to vector<16xi32>
    %add3A_731 = arith.addi %add3A_730, %shift_right_arithmetic3A_725 : vector<16xi32>
    %gather3A_732 = tpu.vector_load_idx %arg8[%add3A_731] : memref<32xi32, #tpu.memory_space<vmem>>[vector<16xi32>], vector<16xi32>,
    %gather3A_733 = tpu.vector_load_idx %arg9[%add3A_731] : memref<32xi32, #tpu.memory_space<vmem>>[vector<16xi32>], vector<16xi32>,
    %add3A_734 = arith.constant 16 : i32
    %add3A_735 = arith.addi %mul3A_2, %add3A_734 : i32
    %add3A_736 = vector.broadcast %add3A_735 : i32 to vector<16xi32>
    %add3A_737 = arith.addi %add3A_736, %shift_right_arithmetic3A_725 : vector<16xi32>
    %mul3A_738 = arith.constant 77 : i32
    %mul3A_739 = vector.broadcast %mul3A_738 : i32 to vector<16xi32>
    %mul3A_740 = arith.muli %add3A_737, %mul3A_739 : vector<16xi32>
    %mul3A_741 = arith.constant 4 : i32
    %mul3A_742 = vector.broadcast %mul3A_741 : i32 to vector<16xi32>
    %mul3A_743 = arith.muli %mul3A_742, %gather3A_732 : vector<16xi32>
    %add3A_744 = arith.addi %mul3A_743, %and3A_728 : vector<16xi32>
    %swap3A_745 = arith.constant 48 : index
    %swap3A_746 = tpu.vector_load %arg13[%swap3A_745] {strides = array<i32>} : memref<64xi32, #tpu.memory_space<vmem>>, vector<16xi32>,
    tpu.vector_store %arg13[%swap3A_745], %add3A_744 {strides = array<i32>} : memref<64xi32, #tpu.memory_space<vmem>>, vector<16xi32>,
    %mul3A_747 = arith.constant 4 : i32
    %mul3A_748 = vector.broadcast %mul3A_747 : i32 to vector<16xi32>
    %mul3A_749 = arith.muli %mul3A_748, %gather3A_733 : vector<16xi32>
    %add3A_750 = arith.addi %mul3A_749, %and3A_728 : vector<16xi32>
    %swap3A_751 = arith.constant 48 : index
    %swap3A_752 = tpu.vector_load %arg15[%swap3A_751] {strides = array<i32>} : memref<64xi32, #tpu.memory_space<vmem>>, vector<16xi32>,
    tpu.vector_store %arg15[%swap3A_751], %add3A_750 {strides = array<i32>} : memref<64xi32, #tpu.memory_space<vmem>>, vector<16xi32>,
    %add3A_753 = arith.constant 5 : i32
    %add3A_754 = vector.broadcast %add3A_753 : i32 to vector<16xi32>
    %add3A_755 = arith.addi %mul3A_740, %add3A_754 : vector<16xi32>
    %add3A_756 = arith.addi %add3A_755, %and3A_728 : vector<16xi32>
    %swap3A_757 = arith.constant 48 : index
    %swap3A_758 = tpu.vector_load %arg14[%swap3A_757] {strides = array<i32>} : memref<64xi32, #tpu.memory_space<vmem>>, vector<16xi32>,
    tpu.vector_store %arg14[%swap3A_757], %add3A_756 {strides = array<i32>} : memref<64xi32, #tpu.memory_space<vmem>>, vector<16xi32>,
    %add3A_759 = arith.constant 11 : i32
    %add3A_760 = vector.broadcast %add3A_759 : i32 to vector<16xi32>
    %add3A_761 = arith.addi %mul3A_740, %add3A_760 : vector<16xi32>
    %add3A_762 = arith.addi %add3A_761, %and3A_728 : vector<16xi32>
    %swap3A_763 = arith.constant 48 : index
    %swap3A_764 = tpu.vector_load %arg16[%swap3A_763] {strides = array<i32>} : memref<64xi32, #tpu.memory_space<vmem>>, vector<16xi32>,
    tpu.vector_store %arg16[%swap3A_763], %add3A_762 {strides = array<i32>} : memref<64xi32, #tpu.memory_space<vmem>>, vector<16xi32>,
    %dma_start3A_765 = arith.constant 0 : i32
    %dma_start3A_766 = arith.constant 0 : i32
    %dma_start3A_767 = tpu.memref_slice %arg2[%dma_start3A_765, %dma_start3A_766] : memref<400000x512xf32, #tpu.memory_space<hbm>> -> memref<400000x512xf32, #tpu.memory_space<hbm>>
    tpu.enqueue_indirect_dma source(%dma_start3A_767 : memref<400000x512xf32, #tpu.memory_space<hbm>>) target(%arg11 : memref<64x512xf32, #tpu.memory_space<vmem>>) offsets(%arg13 : memref<64xi32, #tpu.memory_space<vmem>>) semaphore(%arg18 : memref<!tpu.dma_semaphore, #tpu.memory_space<semaphore_mem>>)
    %dma_start3A_768 = arith.constant 0 : i32
    %dma_start3A_769 = arith.constant 0 : i32
    %dma_start3A_770 = tpu.memref_slice %arg3[%dma_start3A_768, %dma_start3A_769] : memref<4000x512xf32, #tpu.memory_space<hbm>> -> memref<4000x512xf32, #tpu.memory_space<hbm>>
    tpu.enqueue_indirect_dma source(%dma_start3A_770 : memref<4000x512xf32, #tpu.memory_space<hbm>>) target(%arg12 : memref<64x512xf32, #tpu.memory_space<vmem>>) offsets(%arg15 : memref<64xi32, #tpu.memory_space<vmem>>) semaphore(%arg18 : memref<!tpu.dma_semaphore, #tpu.memory_space<semaphore_mem>>)
    %dma_wait3A_771 = arith.constant 0 : i32
    %dma_wait3A_772 = arith.constant 0 : i32
    %dma_wait3A_773 = tpu.memref_slice %arg2[%dma_wait3A_771, %dma_wait3A_772] : memref<400000x512xf32, #tpu.memory_space<hbm>> -> memref<400000x512xf32, #tpu.memory_space<hbm>>
    tpu.wait_indirect_dma semaphore(%arg18 : memref<!tpu.dma_semaphore, #tpu.memory_space<semaphore_mem>>) src(%dma_wait3A_773 : memref<400000x512xf32, #tpu.memory_space<hbm>>) dst(%arg11 : memref<64x512xf32, #tpu.memory_space<vmem>>)
    %dma_wait3A_774 = arith.constant 0 : i32
    %dma_wait3A_775 = arith.constant 0 : i32
    %dma_wait3A_776 = tpu.memref_slice %arg3[%dma_wait3A_774, %dma_wait3A_775] : memref<4000x512xf32, #tpu.memory_space<hbm>> -> memref<4000x512xf32, #tpu.memory_space<hbm>>
    tpu.wait_indirect_dma semaphore(%arg18 : memref<!tpu.dma_semaphore, #tpu.memory_space<semaphore_mem>>) src(%dma_wait3A_776 : memref<4000x512xf32, #tpu.memory_space<hbm>>) dst(%arg12 : memref<64x512xf32, #tpu.memory_space<vmem>>)
    %dma_start3A_777 = arith.constant 0 : i32
    %dma_start3A_778 = arith.constant 0 : i32
    %dma_start3A_779 = tpu.memref_slice %arg7[%dma_start3A_777, %dma_start3A_778] : memref<78848x512xf32, #tpu.memory_space<hbm>> -> memref<78848x512xf32, #tpu.memory_space<hbm>>
    tpu.enqueue_indirect_dma source(%arg11 : memref<64x512xf32, #tpu.memory_space<vmem>>) target(%dma_start3A_779 : memref<78848x512xf32, #tpu.memory_space<hbm>>) offsets(%arg14 : memref<64xi32, #tpu.memory_space<vmem>>) semaphore(%arg19 : memref<!tpu.dma_semaphore, #tpu.memory_space<semaphore_mem>>)
    %dma_start3A_780 = arith.constant 0 : i32
    %dma_start3A_781 = arith.constant 0 : i32
    %dma_start3A_782 = tpu.memref_slice %arg7[%dma_start3A_780, %dma_start3A_781] : memref<78848x512xf32, #tpu.memory_space<hbm>> -> memref<78848x512xf32, #tpu.memory_space<hbm>>
    tpu.enqueue_indirect_dma source(%arg12 : memref<64x512xf32, #tpu.memory_space<vmem>>) target(%dma_start3A_782 : memref<78848x512xf32, #tpu.memory_space<hbm>>) offsets(%arg16 : memref<64xi32, #tpu.memory_space<vmem>>) semaphore(%arg19 : memref<!tpu.dma_semaphore, #tpu.memory_space<semaphore_mem>>)
    %dma_wait3A_783 = arith.constant 0 : i32
    %dma_wait3A_784 = arith.constant 0 : i32
    %dma_wait3A_785 = tpu.memref_slice %arg7[%dma_wait3A_783, %dma_wait3A_784] : memref<78848x512xf32, #tpu.memory_space<hbm>> -> memref<78848x512xf32, #tpu.memory_space<hbm>>
    tpu.wait_indirect_dma semaphore(%arg19 : memref<!tpu.dma_semaphore, #tpu.memory_space<semaphore_mem>>) src(%arg11 : memref<64x512xf32, #tpu.memory_space<vmem>>) dst(%dma_wait3A_785 : memref<78848x512xf32, #tpu.memory_space<hbm>>)
    %dma_wait3A_786 = arith.constant 0 : i32
    %dma_wait3A_787 = arith.constant 0 : i32
    %dma_wait3A_788 = tpu.memref_slice %arg7[%dma_wait3A_786, %dma_wait3A_787] : memref<78848x512xf32, #tpu.memory_space<hbm>> -> memref<78848x512xf32, #tpu.memory_space<hbm>>
    tpu.wait_indirect_dma semaphore(%arg19 : memref<!tpu.dma_semaphore, #tpu.memory_space<semaphore_mem>>) src(%arg12 : memref<64x512xf32, #tpu.memory_space<vmem>>) dst(%dma_wait3A_788 : memref<78848x512xf32, #tpu.memory_space<hbm>>)
    return
  }
}

</mosaic_0001>

<sc_bundles>
// kernel: _prompt_assemble.3.cloned.1.call-start
scs
__scs_entry_jumppad:
0x0: {  	(pc) =	sbr.rel $0x88, $3  }
0x1: {  	(tag) =	ssettag $0x0;
	lr =	simm.s32 $0x1  }
0x2: {  	[smem:$0x3F9C] =	sst lr;
	_ =	strace $0xD0000000  }
0x3: {  	_ = 	snop  }
0x4: {  	_ = 	snop  }
0x5: {  	_ = 	snop  }
0x6: {  	_ = 	snop  }
0x7: {  	_ = 	snop  }
__scs_overlays_trampoline_lowered:
0x8: {  	[smem:$0x3FAB] =	sst s0  }
0x9: {  	[smem:$0x3FAC] =	sst s1  }
0xa: {  	[smem:$0x3FAD] =	sst s2  }
0xb: {  	[smem:$0x3FAE] =	sst s3  }
0xc: {  	[smem:$0x3FAF] =	sst s4  }
0xd: {  	[smem:$0x3FB0] =	sst s5  }
0xe: {  	[smem:$0x3FB1] =	sst s6  }
0xf: {  	[smem:$0x3FB2] =	sst s7  }
0x10: {  	[smem:$0x3FB3] =	sst s8  }
0x11: {  	[smem:$0x3FB4] =	sst s9;
	s0 =	simm.s32 @!p0 $0x0  }
0x12: {  	s1 =	sld [smem:$0x3F9A];
	s0 =	simm.s32 @p0 $0x1  }
0x13: {  	[smem:$0x3FB5] =	sst s0;
	s0 =	simm.s32 @!p1 $0x0  }
0x14: {  	s2 =	sld [smem:$0x3F99];
	s0 =	simm.s32 @p1 $0x1  }
0x15: {  	[smem:$0x3FB6] =	sst s0;
	s0 =	simm.s32 @!p2 $0x0  }
0x16: {  	s3 =	sld [smem:$0x3FDB];
	s0 =	simm.s32 @p2 $0x1  }
0x17: {  	s4 =	simm.s32 $0x1BF5;
	[smem:$0x3FB8] =	sst s0  }
0x18: {  	s0 =	sld [smem:$0x3F9B];
	_ =	swait.ge [sflag:s4], $0x0  }
0x19: {  	s7 =	sld [smem:$0x3F9C]  }
0x1a: {  	s8 =	sadd.s32 $0xFFFFE003, lr  }
0x1b: {  	s9 =	sadd.s32 $0xFFFFFEF7, lr;
	s5 =	simm.s32 $0xFFFFFFFF;
	p2 =	slt.u32 s8, $0xFFFFF086  }
0x1c: {  	p1 =	slt.u32 s9, $0xF7A;
	s5 =	simm.s32 @!p2 $0x0  }
0x1d: {  	s5 =	simm.s32 @p1 $0x1;
	p0 =	seq.s32 s7, s2  }
0x1e: {  	s7 =	smul.u32 @!p0 $0xF7A, s2;
	p2 =	seq.s32 @!p0 s5, $0x0  }
0x1f: {  	s9 =	smul.u32 $0xF7A, s1;
	s8 =	simm.s32 @!p0 $0x1BF5;
	p2 =	por !p2, p0  }
0x20: {  	[sflag:s8] =	ssyncset.s32 @!p0 $0xFFFFF086;
	s6 =	sadd.s32 @!p0 s3, s7;
	s7 =	simm.s32 @!p0 $0x108  }
0x21: {  	s3 =	sadd.s32 s3, s9;
	s6 =	sadd.s32 @!p0 $0x88, s6;
	s7 =	simm.s32 @p2 $0x1082  }
0x22: {  	[simem:s7], [sflag:s8] =	dma.local @!p0 [hbm:s6], $0xF7A  }
0x23: {  	s9 =	sor.u32 $0xD0000000, s2;
	s6 =	simm.s32 $0x108;
	_ =	swait.ge @!p0 [sflag:s8], $0x0  }
0x24: {  	s3 =	sadd.s32 $0x88, s3;
	s6 =	simm.s32 @!p1 $0x1082;
	[sflag:s4] =	ssyncset.s32 $0xFFFFF086  }
0x25: {  	[simem:s6], [sflag:s4] =	dma.local [hbm:s3], $0xF7A  }
0x26: {  	[smem:$0x3F9C] =	sst s1;
	(tag) =	ssettag s2;
	_ =	strace s9  }
0x27: {  	s1 =	sld [smem:$0x3FAC]  }
0x28: {  	s2 =	sld [smem:$0x3FAD]  }
0x29: {  	s4 =	sld [smem:$0x3FAF]  }
0x2a: {  	p0 =	seq.s32 s5, $0x0;
	s5 =	sld [smem:$0x3FB0]  }
0x2b: {  	s6 =	sld [smem:$0x3FB1]  }
0x2c: {  	s7 =	sld [smem:$0x3FB2]  }
0x2d: {  	s3 =	simm.s32 $0x108;
	s8 =	sld [smem:$0x3FB3]  }
0x2e: {  	s3 =	simm.s32 @!p0 $0x1082;
	s9 =	sld [smem:$0x3FB4]  }
0x2f: {  	lr =	sadd.s32 s0, s3;
	s0 =	sld [smem:$0x3FAB]  }
0x30: {  	s3 =	sld [smem:$0x3FAE]  }
0x31: {  	[smem:$0x3FB7] =	sst s10  }
0x32: {  	s10 =	sld [smem:$0x3FB5];
	_ =	sdelay $0x3  }
0x33: {  	p0 =	seq.s32 s10, $0x1;
	s10 =	sld [smem:$0x3FB7];
	_ =	sdelay $0x3  }
0x34: {  	[smem:$0x3FB7] =	sst s10  }
0x35: {  	s10 =	sld [smem:$0x3FB6];
	_ =	sdelay $0x3  }
0x36: {  	p1 =	seq.s32 s10, $0x1;
	s10 =	sld [smem:$0x3FB7];
	_ =	sdelay $0x3  }
0x37: {  	[smem:$0x3FB7] =	sst s10  }
0x38: {  	s10 =	sld [smem:$0x3FB8]  }
0x39: {  	_ = 	snop;
	(pc) =	sbr.ind lr, $3  }
0x3a: {  	_ = 	snop  }
0x3b: {  	_ = 	snop  }
0x3c: {  	p2 =	seq.s32 s10, $0x1;
	s10 =	sld [smem:$0x3FB7]  }
0x3d: {  	_ =	shalt  }
0x3e: {  	_ =	shalt  }
0x3f: {  	_ =	shalt  }
0x40: {  	_ =	shalt  }
0x41: {  	_ =	shalt  }
0x42: {  	_ =	shalt  }
0x43: {  	_ =	shalt  }
0x44: {  	_ =	shalt  }
0x45: {  	_ =	shalt  }
0x46: {  	_ =	shalt  }
0x47: {  	_ =	shalt  }
0x48: {  	_ =	shalt  }
0x49: {  	_ =	shalt  }
0x4a: {  	_ =	shalt  }
0x4b: {  	_ =	shalt  }
0x4c: {  	_ =	shalt  }
0x4d: {  	_ =	shalt  }
0x4e: {  	_ =	shalt  }
0x4f: {  	_ =	shalt  }
0x50: {  	_ =	shalt  }
0x51: {  	_ =	shalt  }
0x52: {  	_ =	shalt  }
0x53: {  	_ =	shalt  }
0x54: {  	_ =	shalt  }
0x55: {  	_ =	shalt  }
0x56: {  	_ =	shalt  }
0x57: {  	_ =	shalt  }
0x58: {  	_ =	shalt  }
0x59: {  	_ =	shalt  }
0x5a: {  	_ =	shalt  }
0x5b: {  	_ =	shalt  }
0x5c: {  	_ =	shalt  }
0x5d: {  	_ =	shalt  }
0x5e: {  	_ =	shalt  }
0x5f: {  	_ =	shalt  }
0x60: {  	_ =	shalt  }
0x61: {  	_ =	shalt  }
0x62: {  	_ =	shalt  }
0x63: {  	_ =	shalt  }
0x64: {  	_ =	shalt  }
0x65: {  	_ =	shalt  }
0x66: {  	_ =	shalt  }
0x67: {  	_ =	shalt  }
0x68: {  	_ =	shalt  }
0x69: {  	_ =	shalt  }
0x6a: {  	_ =	shalt  }
0x6b: {  	_ =	shalt  }
0x6c: {  	_ =	shalt  }
0x6d: {  	_ =	shalt  }
0x6e: {  	_ =	shalt  }
0x6f: {  	_ =	shalt  }
0x70: {  	_ =	shalt  }
0x71: {  	_ =	shalt  }
0x72: {  	_ =	shalt  }
0x73: {  	_ =	shalt  }
0x74: {  	_ =	shalt  }
0x75: {  	_ =	shalt  }
0x76: {  	_ =	shalt  }
0x77: {  	_ =	shalt  }
0x78: {  	_ =	shalt  }
0x79: {  	_ =	shalt  }
0x7a: {  	_ =	shalt  }
0x7b: {  	_ =	shalt  }
0x7c: {  	_ =	shalt  }
0x7d: {  	_ =	shalt  }
0x7e: {  	_ =	shalt  }
0x7f: {  	_ =	shalt  }
0x80: {  	_ =	shalt  }
0x81: {  	_ =	shalt  }
0x82: {  	_ =	shalt  }
0x83: {  	_ =	shalt  }
0x84: {  	_ =	shalt  }
0x85: {  	_ =	shalt  }
0x86: {  	_ =	shalt  }
0x87: {  	_ =	shalt  }
.Lfunc_end0:
.L_simem_size_0:
called_computation.1_lowered:
.L_overlay_start_0:
0x88: {  	s2 =	sld [smem:$0x3FD9]  }
0x89: {  	s3 =	sld [smem:$0x3FFE];
	_ =	sdelay $0x1  }
0x8a: {  	s1 =	srdreg.scid  }
0x8b: {  	s0 =	sand.u32 $0x1, s1  }
0x8c: {  	s17 =	sshll.u32 s0, $0xA;
	s2 =	sadd.s32 s3, s2  }
0x8d: {  	s2 =	sadd.s32 s2, s17  }
0x8e: {  	[smem:$0x3FC3] =	sst s2  }
0x8f: {  	_ = 	snop  }
0x90: {  	s2 =	sld [smem:$0x3FC9]  }
0x91: {  	s18 =	sld [smem:$0x3FC8]  }
0x92: {  	s4 =	sld [smem:$0x3FD0];
	(tm) =	ssettm $0x1  }
0x93: {  	s5 =	sld [smem:$0x3FFB];
	_ =	sdelay $0x3  }
0x94: {  	_ =	strace s5  }
0x95: {  	s5 =	sld [smem:$0x3FFC];
	_ =	sdelay $0x3  }
0x96: {  	_ =	strace s5  }
0x97: {  	s5 =	sld [smem:$0x3FFD];
	_ =	sdelay $0x3  }
0x98: {  	_ =	strace s5  }
0x99: {  	_ =	strace $0x8FFFFFFF  }
0x9a: {  	s19 =	sld [smem:$0x3FDB];
	_ =	sdelay $0x1  }
0x9b: {  	s6 =	simm.s32 $_scs_section_size  }
0x9c: {  	s7 =	simm.s32 $_size__tile_overlayer_lowered;
	s8 =	simm.s32 $_tile_overlayer_lowered  }
0x9d: {  	s22 =	simm.s32 $0x1BFF;
	s21 =	sshll.u32 s8, $0x1;
	s5 =	sadd.s32 s6, s19  }
0x9e: {  	s9 =	simm.s32 $0x0;
	s20 =	sshll.u32 s7, $0x1;
	s7 =	sadd.s32 s21, s5  }
0x9f: {  	[timem:s9], [sflag:s22] =	dma.local [hbm:s7], s20  }
0xa0: {  	_ =	swait.ge [sflag:s22], s20  }
0xa1: {  	s6 =	ssub.s32 $0x0, s20;
	[sflag:s22] =	ssyncset.done $0x0  }
0xa2: {  	[sflag:s22] =	ssyncadd.s32 s6;
	_ =	sdelay $0x1  }
0xa3: {  	s23 =	simm.s32 $0x1B8B  }
0xa4: {  	_ =	swait.ge [sflag:s23], $0x1  }
0xa5: {  	[sflag:s23] =	ssyncset.done $0x0  }
0xa6: {  	s25 =	simm.s32 $0x1B8E;
	s24 =	sld [smem:$0x3FFE];
	[sflag:s23] =	ssyncadd.s32 $0xFFFFFFFF  }
0xa7: {  	s26 =	simm.s32 $execute0_lowered;
	[smem:$0x3FD2] =	sst s25  }
0xa8: {  	s7 =	sshll.u32 s26, $0x1;
	_ =	strace $0x80000049;
	[dreg:$0x1] =	wrdreg $0xFFFFFFFF  }
0xa9: {  	s28 =	simm.s32 $_size_execute0_lowered;
	s5 =	sadd.s32 s5, s7;
	[dreg:$0x0] =	wrdreg $0x0  }
0xaa: {  	s7 =	sshll.u32 s28, $0x1;
	[dreg:$0x2] =	wrdreg s5  }
0xab: {  	[dreg:$0x3] =	wrdreg s7  }
0xac: {  	[dreg:$0x4] =	wrdreg $0xC0  }
0xad: {  	_ =	task [dreg:s9], $0x5FFFF  }
0xae: {  	[dreg:$0x1] =	wrdreg $0xFFFFFFFF  }
0xaf: {  	[dreg:$0x0] =	wrdreg $0x60  }
0xb0: {  	[dreg:$0x2] =	wrdreg s24  }
0xb1: {  	[dreg:$0x3] =	wrdreg s4  }
0xb2: {  	[dreg:$0x4] =	wrdreg s2  }
0xb3: {  	[dreg:$0x5] =	wrdreg s18  }
0xb4: {  	[dreg:$0x6] =	wrdreg $0x9  }
0xb5: {  	_ =	task.clear_ibuf [dreg:s9], $0x7FFFF;
	_ =	strace $0x90000049  }
0xb6: {  	s29 =	simm.s32 $0x9;
	_ =	strace $0x8000004B  }
0xb7: {  	_ =	swait.ge [sflag:s29], $0x1  }
0xb8: {  	[sflag:s29] =	ssyncadd.s32 $0xFFFFFFFF  }
0xb9: {  	_ =	strace $0x9000004B  }
0xba: {  	_ =	sfence  }
0xbb: {  	s30 =	sld [smem:$0x0];
	_ =	sdelay $0x2  }
0xbc: {  	s31 =	sshll.u32 s1, $0xD;
	s1 =	sshrl.u32 s1, $0x2  }
0xbd: {  	s3 =	sand.u32 $0x4000, s31;
	s1 =	sadd.s32 s1, s30  }
0xbe: {  	s0 =	sor.u32 s3, s0;
	s1 =	sshll.u32 s1, $0x11  }
0xbf: {  	s0 =	sor.u32 s1, s0  }
0xc0: {  	s0 =	sadd.s32 $0x8F2B, s0  }
0xc1: {  	[sflag:s0] =	ssyncadd.remote.s32 $0x1  }
0xc2: {  	_ =	sfence.sel $0xFFFF  }
0xc3: {  	[dreg:$0x0] =	wrdreg $0xFFFFFFFF;
	(pc) =	sbr.abs _section_cstart, $3  }
0xc4: {  	[dreg:$0x1] =	wrdreg $0xFFFFFFFF  }
0xc5: {  	_ =	task.clear_ibuf [dreg:s9], $0x2FFFF;
	_ =	strace $0x9FFFFFFF  }
0xc6: {  	(tm) =	ssettm $0x7FFFFFFF  }
0xc7: {  	_ =	shalt  }
tec
execute0_lowered:
.L_overlay_start_1:
0x0: {  	(tag) =	ssettag $0x1  }
0x1: {  	s21 =	rddreg [dreg:$0x0]  }
0x2: {  	s26 =	rddreg [dreg:$0x1]  }
0x3: {  	s1 =	rddreg [dreg:$0x2]  }
0x4: {  	s5 =	rddreg [dreg:$0x3]  }
0x5: {  	s0 =	srdreg.scid;
	s2 =	stileid.u32  }
0x6: {  	s3 =	simm.s32 $0x0;
	s0 =	sand.u32 $0x1, s0;
	s4 =	sshll.u32 s2, $0x1  }
0x7: {  	[smem:$0x7FF] =	sst s3;
	s6 =	sadd.s32 $0x186AC00, s21;
	s7 =	sor.u32 s0, s4  }
0x8: {  	_ =	strace $0x8000004A;
	s12 =	sshll.u32 s7, $0x2;
	s8 =	smul.u32 $0x134000, s7  }
0x9: {  	[dreg:$0x5] =	wrdreg s6;
	s9 =	smul.u32 $0x26800, s7;
	s1 =	sadd.s32 s1, s12  }
0xa: {  	s4 =	sadd.s32 $0x186C000, s21;
	s13 =	sadd.s32 s5, s12;
	[dreg:$0x6] =	wrdreg s1  }
0xb: {  	s14 =	sshrl.u32 s8, $0x3;
	[dreg:$0x7] =	wrdreg s13;
	s15 =	sadd.s32 s4, s9  }
0xc: {  	s20 =	sadd.s32 s4, s14;
	[dreg:$0x8] =	wrdreg s15  }
0xd: {  	s15 =	rddreg [dreg:$0x6];
	s16 =	sadd.s32 $0x1340, s20  }
0xe: {  	[tilespmem:s3], [sflag:$0x4] =	stream.linear.gather [hbm4b:s15+s3], $0x20, $0x38;
	[tilespmem:$0x19B40] =	vst v63  }
0xf: {  	s17 =	sadd.s32 $0x2680, s20;
	[dreg:$0x9] =	wrdreg s16  }
0x10: {  	s18 =	sadd.s32 $0x39C0, s20;
	[dreg:$0xa] =	wrdreg s17  }
0x11: {  	s19 =	sadd.s32 $0x4D00, s20;
	[dreg:$0xb] =	wrdreg s18  }
0x12: {  	s22 =	sadd.s32 $0x6040, s20;
	[dreg:$0xc] =	wrdreg s19  }
0x13: {  	s23 =	sadd.s32 $0x7380, s20;
	[dreg:$0xd] =	wrdreg s22  }
0x14: {  	s24 =	sadd.s32 $0x86C0, s20;
	[dreg:$0xe] =	wrdreg s23  }
0x15: {  	s25 =	sadd.s32 $0x9A00, s20;
	[dreg:$0xf] =	wrdreg s24  }
0x16: {  	s2 =	sadd.s32 $0xAD40, s20;
	[dreg:$0x10] =	wrdreg s25  }
0x17: {  	s5 =	sadd.s32 $0xC080, s20;
	[dreg:$0x11] =	wrdreg s2  }
0x18: {  	s6 =	sadd.s32 $0xD3C0, s20;
	[dreg:$0x12] =	wrdreg s5  }
0x19: {  	s8 =	sadd.s32 $0xE700, s20;
	[dreg:$0x13] =	wrdreg s6  }
0x1a: {  	s11 =	sshll.u32 s7, $0x5;
	s9 =	sadd.s32 $0x10D80, s20;
	[dreg:$0x14] =	wrdreg s8  }
0x1b: {  	s1 =	sor.u32 $0x10, s11;
	s12 =	sadd.s32 $0x120C0, s20;
	[dreg:$0x16] =	wrdreg s9  }
0x1c: {  	s10 =	smul.u32 $0x1340, s1;
	s14 =	sadd.s32 $0x14740, s20;
	[dreg:$0x17] =	wrdreg s12  }
0x1d: {  	s5 =	sadd.s32 $0xFA40, s20;
	[dreg:$0x19] =	wrdreg s14  }
0x1e: {  	s13 =	sadd.s32 s4, s10;
	[dreg:$0x15] =	wrdreg s5  }
0x1f: {  	s16 =	sadd.s32 $0x15A80, s20;
	[dreg:$0x18] =	wrdreg s13  }
0x20: {  	[dreg:$0x1a] =	wrdreg s16;
	s5 =	simm.s32 $0x4  }
0x21: {  	_ =	swait.ge [sflag:s5], $0x20  }
0x22: {  	[sflag:s5] =	ssyncset.done $0x0  }
0x23: {  	s6 =	simm.s32 $0x20;
	s17 =	rddreg [dreg:$0x7];
	[sflag:s5] =	ssyncadd.s32 $0xFFFFFFE0  }
0x24: {  	[tilespmem:s6], [sflag:$0x4] =	stream.linear.gather [hbm4b:s17+s3], $0x20, $0x38;
	[tilespmem:$0x19B40] =	vst v63  }
0x25: {  	_ =	swait.ge [sflag:s5], $0x20  }
0x26: {  	[sflag:s5] =	ssyncset.done $0x0  }
0x27: {  	s7 =	simm.s32 $0x40;
	s18 =	rddreg [dreg:$0x5];
	[sflag:s5] =	ssyncadd.s32 $0xFFFFFFE0  }
0x28: {  	[tilespmem:s7], [sflag:$0x4] =	stream.linear.gather [hbm4b:s18+s3], $0x9A00, $0x38;
	[tilespmem:$0x19B40] =	vst v63  }
0x29: {  	_ =	swait.ge [sflag:s5], $0x9A00  }
0x2a: {  	[sflag:s5] =	ssyncset.done $0x0  }
0x2b: {  	s19 =	rddreg [dreg:$0x8];
	[sflag:s5] =	ssyncadd.s32 $0xFFFF6600  }
0x2c: {  	[hbm4b:s19+s3] =	stream.linear.scatter [tilespmem:s7], [sflag:$0x1], $0x9A00, $0x38;
	[tilespmem:$0x19B40] =	vst v63  }
0x2d: {  	s22 =	rddreg [dreg:$0x9]  }
0x2e: {  	[hbm4b:s22+s3] =	stream.linear.scatter [tilespmem:s7], [sflag:$0x1], $0x9A00, $0x38;
	[tilespmem:$0x19B40] =	vst v63  }
0x2f: {  	s23 =	rddreg [dreg:$0xa]  }
0x30: {  	[hbm4b:s23+s3] =	stream.linear.scatter [tilespmem:s7], [sflag:$0x1], $0x9A00, $0x38;
	[tilespmem:$0x19B40] =	vst v63  }
0x31: {  	s24 =	rddreg [dreg:$0xb]  }
0x32: {  	[hbm4b:s24+s3] =	stream.linear.scatter [tilespmem:s7], [sflag:$0x1], $0x9A00, $0x38;
	[tilespmem:$0x19B40] =	vst v63  }
0x33: {  	s25 =	rddreg [dreg:$0xc]  }
0x34: {  	[hbm4b:s25+s3] =	stream.linear.scatter [tilespmem:s7], [sflag:$0x1], $0x9A00, $0x38;
	[tilespmem:$0x19B40] =	vst v63  }
0x35: {  	s2 =	rddreg [dreg:$0xd]  }
0x36: {  	[hbm4b:s2+s3] =	stream.linear.scatter [tilespmem:s7], [sflag:$0x1], $0x9A00, $0x38;
	[tilespmem:$0x19B40] =	vst v63  }
0x37: {  	s10 =	rddreg [dreg:$0xe]  }
0x38: {  	[hbm4b:s10+s3] =	stream.linear.scatter [tilespmem:s7], [sflag:$0x1], $0x9A00, $0x38;
	[tilespmem:$0x19B40] =	vst v63  }
0x39: {  	s12 =	rddreg [dreg:$0xf]  }
0x3a: {  	[hbm4b:s12+s3] =	stream.linear.scatter [tilespmem:s7], [sflag:$0x1], $0x9A00, $0x38;
	[tilespmem:$0x19B40] =	vst v63  }
0x3b: {  	s13 =	rddreg [dreg:$0x10]  }
0x3c: {  	[hbm4b:s13+s3] =	stream.linear.scatter [tilespmem:s7], [sflag:$0x1], $0x9A00, $0x38;
	[tilespmem:$0x19B40] =	vst v63  }
0x3d: {  	s14 =	rddreg [dreg:$0x11]  }
0x3e: {  	[hbm4b:s14+s3] =	stream.linear.scatter [tilespmem:s7], [sflag:$0x1], $0x9A00, $0x38;
	[tilespmem:$0x19B40] =	vst v63  }
0x3f: {  	s15 =	rddreg [dreg:$0x12]  }
0x40: {  	[hbm4b:s15+s3] =	stream.linear.scatter [tilespmem:s7], [sflag:$0x1], $0x9A00, $0x38;
	[tilespmem:$0x19B40] =	vst v63  }
0x41: {  	s16 =	rddreg [dreg:$0x13]  }
0x42: {  	[hbm4b:s16+s3] =	stream.linear.scatter [tilespmem:s7], [sflag:$0x1], $0x9A00, $0x38;
	[tilespmem:$0x19B40] =	vst v63  }
0x43: {  	s17 =	rddreg [dreg:$0x14]  }
0x44: {  	[hbm4b:s17+s3] =	stream.linear.scatter [tilespmem:s7], [sflag:$0x1], $0x9A00, $0x38;
	[tilespmem:$0x19B40] =	vst v63  }
0x45: {  	s18 =	rddreg [dreg:$0x15]  }
0x46: {  	[hbm4b:s18+s3] =	stream.linear.scatter [tilespmem:s7], [sflag:$0x1], $0x9A00, $0x38;
	[tilespmem:$0x19B40] =	vst v63  }
0x47: {  	s19 =	rddreg [dreg:$0x16]  }
0x48: {  	[hbm4b:s19+s3] =	stream.linear.scatter [tilespmem:s7], [sflag:$0x1], $0x9A00, $0x38;
	[tilespmem:$0x19B40] =	vst v63  }
0x49: {  	s22 =	rddreg [dreg:$0x17]  }
0x4a: {  	[hbm4b:s22+s3] =	stream.linear.scatter [tilespmem:s7], [sflag:$0x1], $0x9A00, $0x38;
	[tilespmem:$0x19B40] =	vst v63  }
0x4b: {  	s23 =	rddreg [dreg:$0x18]  }
0x4c: {  	[hbm4b:s23+s3] =	stream.linear.scatter [tilespmem:s7], [sflag:$0x1], $0x9A00, $0x38;
	[tilespmem:$0x19B40] =	vst v63  }
0x4d: {  	s24 =	rddreg [dreg:$0x19]  }
0x4e: {  	[hbm4b:s24+s3] =	stream.linear.scatter [tilespmem:s7], [sflag:$0x1], $0x9A00, $0x38;
	[tilespmem:$0x19B40] =	vst v63  }
0x4f: {  	s25 =	rddreg [dreg:$0x1a]  }
0x50: {  	[hbm4b:s25+s3] =	stream.linear.scatter [tilespmem:s7], [sflag:$0x1], $0x9A00, $0x38;
	[tilespmem:$0x19B40] =	vst v63  }
0x51: {  	s8 =	sadd.s32 $0x16DC0, s20  }
0x52: {  	v0 =	vimm.s32 $0xA2A1A09F;
	[hbm4b:s8+s3] =	stream.linear.scatter [tilespmem:s7], [sflag:$0x1], $0x9A00, $0x38;
	[tilespmem:$0x19B40] =	vst v63  }
0x53: {  	v1 =	vimm.s32 $0xEFEEEDEC;
	v2 =	vimm.s32 $0x8070605;
	s9 =	sadd.s32 $0x18100, s20  }
0x54: {  	v3 =	vimm.s32 $0x55545352;
	vm0 =	vcmask $0x1F10;
	[hbm4b:s9+s3] =	stream.linear.scatter [tilespmem:s7], [sflag:$0x1], $0x9A00, $0x38;
	[tilespmem:$0x19B40] =	vst v63  }
0x55: {  	vm14 =	vcmask $0x300;
	vm12 =	vcmask $0x704;
	vm4 =	vcmask $0xB08;
	s10 =	sadd.s32 $0x19440, s20  }
0x56: {  	vm2 =	vcmask $0xF0C;
	v0 =	vunpack.c.0.s8.s32 v0;
	v1 =	vunpack.c.0.s8.s32 v1;
	[hbm4b:s10+s3] =	stream.linear.scatter [tilespmem:s7], [sflag:$0x1], $0x9A00, $0x38;
	[tilespmem:$0x19B40] =	vst v63  }
0x57: {  	v2 =	vunpack.c.0.s8.s32 v2;
	v3 =	vunpack.c.0.s8.s32 v3;
	v4 =	vmov s11;
	s11 =	sadd.s32 $0x1A780, s20  }
0x58: {  	vm3 =	vcmask $0x1310;
	vm5 =	vcmask $0x1B18;
	vm6 =	vcmask $0x1F1C;
	[hbm4b:s11+s3] =	stream.linear.scatter [tilespmem:s7], [sflag:$0x1], $0x9A00, $0x38;
	[tilespmem:$0x19B40] =	vst v63  }
0x59: {  	v0 =	vsel vm0, v1, v0;
	v1 =	vsel vm0, v3, v2;
	v3 =	vimm.s32 $0x223;
	s12 =	sadd.s32 $0x1BAC0, s20  }
0x5a: {  	v2 =	vimm.s32 $0xF5F4F3F2;
	v0 =	vcombine.low v1, v0;
	v3 =	vsel vm14, $0x139, v3;
	[hbm4b:s12+s3] =	stream.linear.scatter [tilespmem:s7], [sflag:$0x1], $0x9A00, $0x38;
	[tilespmem:$0x19B40] =	vst v63  }
0x5b: {  	v1 =	vimm.s32 $0xA8A7A6A5;
	v4 =	vmul.u32 $0x4D, v4;
	v3 =	vsel vm12, $0x13A, v3;
	s13 =	sadd.s32 $0x1CE00, s20  }
0x5c: {  	v16 =	vand.u32 $0xFF, v0;
	v0 =	vunpack.c.0.s8.s32 v1;
	v1 =	vunpack.c.0.s8.s32 v2;
	[hbm4b:s13+s3] =	stream.linear.scatter [tilespmem:s7], [sflag:$0x1], $0x9A00, $0x38;
	[tilespmem:$0x19B40] =	vst v63  }
0x5d: {  	v2 =	vimm.s32 $0xE0D0C0B;
	v12 =	vbroadcast v4, $0x0;
	v4 =	vimm.s32 $0x5B5A5958;
	s14 =	sadd.s32 $0x1E140, s20  }
0x5e: {  	v3 =	vsel vm4, $0x13B, v3;
	v2 =	vunpack.c.0.s8.s32 v2;
	v4 =	vunpack.c.0.s8.s32 v4;
	[hbm4b:s14+s3] =	stream.linear.scatter [tilespmem:s7], [sflag:$0x1], $0x9A00, $0x38;
	[tilespmem:$0x19B40] =	vst v63  }
0x5f: {  	vm7 =	vcmask $0x2320;
	v0 =	vsel vm0, v1, v0;
	v1 =	vsel vm2, $0x13C, v3;
	s15 =	sadd.s32 $0x1F480, s20  }
0x60: {  	v1 =	vsel vm3, $0x186, v1;
	v2 =	vsel vm0, v4, v2;
	vm0 =	vcmask $0x1714;
	[hbm4b:s15+s3] =	stream.linear.scatter [tilespmem:s7], [sflag:$0x1], $0x9A00, $0x38;
	[tilespmem:$0x19B40] =	vst v63  }
0x61: {  	vm1 =	vcmask $0x2724;
	v5 =	vlaneseq.u32;
	v1 =	vsel vm0, $0x187, v1;
	s16 =	sadd.s32 $0x207C0, s20  }
0x62: {  	vm8 =	vcmask $0x2B28;
	v2 =	vcombine.low v2, v0;
	v1 =	vsel vm5, $0x188, v1;
	[hbm4b:s16+s3] =	stream.linear.scatter [tilespmem:s7], [sflag:$0x1], $0x9A00, $0x38;
	[tilespmem:$0x19B40] =	vst v63  }
0x63: {  	vm9 =	vcmask $0x2F2C;
	v6 =	vimm.s32 $0x357;
	v1 =	vsel vm6, $0x189, v1;
	s17 =	sadd.s32 $0x21B00, s20  }
0x64: {  	v14 =	vand.u32 $0xFF, v2;
	v2 =	vimm.s32 $0x229;
	v1 =	vsel vm7, $0x1D3, v1;
	[hbm4b:s17+s3] =	stream.linear.scatter [tilespmem:s7], [sflag:$0x1], $0x9A00, $0x38;
	[tilespmem:$0x19B40] =	vst v63  }
0x65: {  	v6 =	vsel vm14, $0x26D, v6;
	v3 =	vsel vm1, $0x1D4, v1;
	v1 =	vsel vm14, $0x13F, v2;
	s18 =	sadd.s32 $0x22E40, s20  }
0x66: {  	v6 =	vsel vm12, $0x26E, v6;
	v2 =	vsel vm12, $0x140, v1;
	v1 =	vshrl.u32 v5, $0x2;
	[hbm4b:s18+s3] =	stream.linear.scatter [tilespmem:s7], [sflag:$0x1], $0x9A00, $0x38;
	[tilespmem:$0x19B40] =	vst v63  }
0x67: {  	vm10 =	vcmask $0x3330;
	v6 =	vsel vm4, $0x26F, v6;
	v2 =	vsel vm4, $0x141, v2;
	s19 =	sadd.s32 $0x24180, s20  }
0x68: {  	vm11 =	vcmask $0x3734;
	v6 =	vsel vm2, $0x270, v6;
	v4 =	vsel vm2, $0x142, v2;
	[hbm4b:s19+s3] =	stream.linear.scatter [tilespmem:s7], [sflag:$0x1], $0x9A00, $0x38;
	[tilespmem:$0x19B40] =	vst v63  }
0x69: {  	vm13 =	vcmask $0x3B38;
	v6 =	vsel vm3, $0x2BA, v6;
	v4 =	vsel vm3, $0x18C, v4;
	s20 =	sadd.s32 $0x254C0, s20  }
0x6a: {  	v10 =	vimm.s32 $0x35D;
	v6 =	vsel vm0, $0x2BB, v6;
	v4 =	vsel vm0, $0x18D, v4;
	[hbm4b:s20+s3] =	stream.linear.scatter [tilespmem:s7], [sflag:$0x1], $0x9A00, $0x38;
	[tilespmem:$0x19B40] =	vst v63  }
0x6b: {  	v11 =	vimm.s32 $0x491;
	v6 =	vsel vm5, $0x2BC, v6;
	v4 =	vsel vm5, $0x18E, v4;
	v7 =	vld.idx.msk [tilespmem:v1+s3+$0x0], $0xffff  }
0x6c: {  	v10 =	vsel vm14, $0x273, v10;
	v6 =	vsel vm6, $0x2BD, v6;
	v4 =	vsel vm6, $0x18F, v4;
	v8 =	vld.idx.msk [tilespmem:v1+s6+$0x0], $0xffff  }
0x6d: {  	v11 =	vsel vm14, $0x3A7, v11;
	v6 =	vsel vm7, $0x307, v6;
	v4 =	vsel vm7, $0x1D9, v4  }
0x6e: {  	v0 =	vadd.s32 v16, v12;
	v6 =	vsel vm1, $0x308, v6;
	v4 =	vsel vm1, $0x1DA, v4  }
0x6f: {  	v3 =	vsel vm8, $0x1D5, v3;
	v9 =	vsel vm8, $0x1DB, v4;
	v4 =	vor.u32 $0x4, v1  }
0x70: {  	v5 =	vand.u32 $0x3, v5;
	v2 =	vadd.s32 v14, v12;
	[tilespmem:$0x19A80] =	vst v0;
	v7 =	vshll.u32 v7, $0x2  }
0x71: {  	v3 =	vsel vm9, $0x1D6, v3;
	[tilespmem:$0x19B00] =	vst v2;
	v8 =	vshll.u32 v8, $0x2;
	v7 =	vor.u32 v5, v7  }
0x72: {  	v15 =	vsel vm8, $0x309, v6;
	v3 =	vsel vm10, $0x220, v3;
	[tilespmem:$0x19A40] =	vst v7;
	v7 =	vor.u32 v5, v8  }
0x73: {  	v3 =	vsel vm11, $0x221, v3;
	v8 =	vsel vm9, $0x1DC, v9;
	v9 =	vsel vm12, $0x274, v10;
	[tilespmem:$0x19AC0] =	vst v7  }
0x74: {  	v10 =	vimm.s32 $0x48B;
	v7 =	vsel vm10, $0x226, v8;
	v8 =	vsel vm4, $0x275, v9;
	v9 =	vld.idx.msk [tilespmem:v4+s3+$0x0], $0xffff  }
0x75: {  	v17 =	vsel vm13, $0x222, v3;
	v10 =	vsel vm14, $0x3A1, v10;
	v8 =	vsel vm2, $0x276, v8;
	v13 =	vld.idx.msk [tilespmem:v4+s6+$0x0], $0xffff  }
0x76: {  	v3 =	vadd.s32 v17, v12;
	v10 =	vsel vm12, $0x3A2, v10;
	v8 =	vsel vm3, $0x2C0, v8  }
0x77: {  	v7 =	vsel vm11, $0x227, v7;
	v10 =	vsel vm4, $0x3A3, v10;
	v8 =	vsel vm0, $0x2C1, v8  }
0x78: {  	v19 =	vsel vm13, $0x228, v7;
	v10 =	vsel vm2, $0x3A4, v10;
	v6 =	vsel vm5, $0x2C2, v8  }
0x79: {  	v8 =	vsel vm6, $0x2C3, v6;
	v6 =	vor.u32 $0x8, v1;
	v7 =	vshll.u32 v9, $0x2  }
0x7a: {  	[tilespmem:$0x19A90] =	vst v3;
	v9 =	vsel vm12, $0x3A8, v11;
	v13 =	vshll.u32 v13, $0x2;
	v7 =	vor.u32 v5, v7  }
0x7b: {  	v11 =	vsel vm9, $0x30A, v15;
	v8 =	vsel vm7, $0x30D, v8;
	v13 =	vor.u32 v5, v13;
	[tilespmem:$0x19A50] =	vst v7  }
0x7c: {  	v11 =	vsel vm10, $0x354, v11;
	v8 =	vsel vm1, $0x30E, v8;
	v7 =	vadd.s32 v19, v12;
	[tilespmem:$0x19AD0] =	vst v13  }
0x7d: {  	v10 =	vsel vm3, $0x3EE, v10;
	v11 =	vsel vm11, $0x355, v11;
	v8 =	vsel vm8, $0x30F, v8;
	[tilespmem:$0x19B10] =	vst v7  }
0x7e: {  	v10 =	vsel vm0, $0x3EF, v10;
	v22 =	vsel vm13, $0x356, v11;
	v8 =	vsel vm9, $0x310, v8;
	v11 =	vld.idx.msk [tilespmem:v6+s3+$0x0], $0xffff  }
0x7f: {  	v10 =	vsel vm5, $0x3F0, v10;
	v9 =	vsel vm4, $0x3A9, v9;
	v8 =	vsel vm10, $0x35A, v8;
	v15 =	vld.idx.msk [tilespmem:v6+s6+$0x0], $0xffff  }
0x80: {  	v18 =	vsel vm6, $0x3F1, v10;
	v9 =	vsel vm2, $0x3AA, v9;
	v13 =	vsel vm11, $0x35B, v8  }
0x81: {  	v10 =	vor.u32 $0xC, v1;
	v20 =	vsel vm13, $0x35C, v13;
	v13 =	vsel vm3, $0x3F4, v9  }
0x82: {  	v18 =	vsel vm7, $0x43B, v18;
	v8 =	vadd.s32 v22, v12;
	v13 =	vsel vm0, $0x3F5, v13  }
0x83: {  	[tilespmem:$0x19AA0] =	vst v8;
	v9 =	vadd.s32 v20, v12;
	v13 =	vsel vm5, $0x3F6, v13;
	v11 =	vshll.u32 v11, $0x2  }
0x84: {  	[tilespmem:$0x19B20] =	vst v9;
	v13 =	vsel vm6, $0x3F7, v13;
	v15 =	vshll.u32 v15, $0x2;
	v11 =	vor.u32 v5, v11  }
0x85: {  	v18 =	vsel vm1, $0x43C, v18;
	v13 =	vsel vm7, $0x441, v13;
	[tilespmem:$0x19A60] =	vst v11;
	v11 =	vor.u32 v5, v15  }
0x86: {  	v15 =	vsel vm8, $0x43D, v18;
	v13 =	vsel vm1, $0x442, v13;
	[tilespmem:$0x19AE0] =	vst v11  }
0x87: {  	v11 =	vsel vm9, $0x43E, v15;
	v13 =	vsel vm8, $0x443, v13;
	v15 =	vld.idx.msk [tilespmem:v10+s3+$0x0], $0xffff  }
0x88: {  	v11 =	vsel vm10, $0x488, v11;
	v13 =	vsel vm9, $0x444, v13;
	v18 =	vld.idx.msk [tilespmem:v10+s6+$0x0], $0xffff  }
0x89: {  	v11 =	vsel vm11, $0x489, v11;
	v13 =	vsel vm10, $0x48E, v13  }
0x8a: {  	v24 =	vsel vm13, $0x48A, v11;
	v13 =	vsel vm11, $0x48F, v13  }
0x8b: {  	v11 =	vadd.s32 v24, v12;
	v23 =	vsel vm13, $0x490, v13  }
0x8c: {  	v12 =	vadd.s32 v23, v12;
	[tilespmem:$0x19AB0] =	vst v11;
	v13 =	vshll.u32 v15, $0x2  }
0x8d: {  	[tilespmem:$0x19B30] =	vst v12;
	v15 =	vshll.u32 v18, $0x2;
	v13 =	vor.u32 v5, v13  }
0x8e: {  	[tilespmem:$0x19A70] =	vst v13;
	v13 =	vor.u32 v5, v15  }
0x8f: {  	s21 =	sadd.s32 $0xC00, s21;
	s22 =	simm.s32 $0x9A40;
	s23 =	simm.s32 $0x19A40;
	[tilespmem:$0x19AF0] =	vst v13  }
0x90: {  	[tilespmem:s22], [sflag:$0x2] =	stream.indirect.gather [hbm4b:s21+s7], $0x200, s23, s7, $0xb8;
	[tilespmem:$0x19B40] =	vst v63  }
0x91: {  	s24 =	simm.s32 $0x11A40;
	s25 =	simm.s32 $0x19AC0  }
0x92: {  	[tilespmem:s24], [sflag:$0x2] =	stream.indirect.gather [hbm4b:s26+s7], $0x200, s25, s7, $0xb8;
	[tilespmem:$0x19B40] =	vst v63  }
0x93: {  	s2 =	smov.u32 s26;
	s26 =	simm.s32 $0x2  }
0x94: {  	_ =	swait.ge [sflag:s26], $0x8000  }
0x95: {  	[sflag:s26] =	ssyncset.done $0x0  }
0x96: {  	[sflag:s26] =	ssyncadd.s32 $0xFFFF8000  }
0x97: {  	_ =	swait.ge [sflag:s26], $0x8000  }
0x98: {  	[sflag:s26] =	ssyncset.done $0x0  }
0x99: {  	s28 =	simm.s32 $0x1;
	[sflag:s26] =	ssyncadd.s32 $0xFFFF8000  }
0x9a: {  	_ =	swait.ge [sflag:s28], $0x9A00  }
0x9b: {  	[sflag:s28] =	ssyncset.done $0x0  }
0x9c: {  	[sflag:s28] =	ssyncadd.s32 $0xFFFF6600  }
0x9d: {  	_ =	swait.ge [sflag:s28], $0x9A00  }
0x9e: {  	[sflag:s28] =	ssyncset.done $0x0  }
0x9f: {  	[sflag:s28] =	ssyncadd.s32 $0xFFFF6600  }
0xa0: {  	_ =	swait.ge [sflag:s28], $0x9A00  }
0xa1: {  	[sflag:s28] =	ssyncset.done $0x0  }
0xa2: {  	[sflag:s28] =	ssyncadd.s32 $0xFFFF6600  }
0xa3: {  	_ =	swait.ge [sflag:s28], $0x9A00  }
0xa4: {  	[sflag:s28] =	ssyncset.done $0x0  }
0xa5: {  	[sflag:s28] =	ssyncadd.s32 $0xFFFF6600  }
0xa6: {  	_ =	swait.ge [sflag:s28], $0x9A00  }
0xa7: {  	[sflag:s28] =	ssyncset.done $0x0  }
0xa8: {  	[sflag:s28] =	ssyncadd.s32 $0xFFFF6600  }
0xa9: {  	_ =	swait.ge [sflag:s28], $0x9A00  }
0xaa: {  	[sflag:s28] =	ssyncset.done $0x0  }
0xab: {  	[sflag:s28] =	ssyncadd.s32 $0xFFFF6600  }
0xac: {  	_ =	swait.ge [sflag:s28], $0x9A00  }
0xad: {  	[sflag:s28] =	ssyncset.done $0x0  }
0xae: {  	[sflag:s28] =	ssyncadd.s32 $0xFFFF6600  }
0xaf: {  	_ =	swait.ge [sflag:s28], $0x9A00  }
0xb0: {  	[sflag:s28] =	ssyncset.done $0x0  }
0xb1: {  	[sflag:s28] =	ssyncadd.s32 $0xFFFF6600  }
0xb2: {  	_ =	swait.ge [sflag:s28], $0x9A00  }
0xb3: {  	[sflag:s28] =	ssyncset.done $0x0  }
0xb4: {  	[sflag:s28] =	ssyncadd.s32 $0xFFFF6600  }
0xb5: {  	_ =	swait.ge [sflag:s28], $0x9A00  }
0xb6: {  	[sflag:s28] =	ssyncset.done $0x0  }
0xb7: {  	[sflag:s28] =	ssyncadd.s32 $0xFFFF6600  }
0xb8: {  	_ =	swait.ge [sflag:s28], $0x9A00  }
0xb9: {  	[sflag:s28] =	ssyncset.done $0x0  }
0xba: {  	[sflag:s28] =	ssyncadd.s32 $0xFFFF6600  }
0xbb: {  	_ =	swait.ge [sflag:s28], $0x9A00  }
0xbc: {  	[sflag:s28] =	ssyncset.done $0x0  }
0xbd: {  	[sflag:s28] =	ssyncadd.s32 $0xFFFF6600  }
0xbe: {  	_ =	swait.ge [sflag:s28], $0x9A00  }
0xbf: {  	[sflag:s28] =	ssyncset.done $0x0  }
0xc0: {  	[sflag:s28] =	ssyncadd.s32 $0xFFFF6600  }
0xc1: {  	_ =	swait.ge [sflag:s28], $0x9A00  }
0xc2: {  	[sflag:s28] =	ssyncset.done $0x0  }
0xc3: {  	[sflag:s28] =	ssyncadd.s32 $0xFFFF6600  }
0xc4: {  	_ =	swait.ge [sflag:s28], $0x9A00  }
0xc5: {  	[sflag:s28] =	ssyncset.done $0x0  }
0xc6: {  	[sflag:s28] =	ssyncadd.s32 $0xFFFF6600  }
0xc7: {  	_ =	swait.ge [sflag:s28], $0x9A00  }
0xc8: {  	[sflag:s28] =	ssyncset.done $0x0  }
0xc9: {  	[sflag:s28] =	ssyncadd.s32 $0xFFFF6600  }
0xca: {  	_ =	swait.ge [sflag:s28], $0x9A00  }
0xcb: {  	[sflag:s28] =	ssyncset.done $0x0  }
0xcc: {  	[sflag:s28] =	ssyncadd.s32 $0xFFFF6600  }
0xcd: {  	_ =	swait.ge [sflag:s28], $0x9A00  }
0xce: {  	[sflag:s28] =	ssyncset.done $0x0  }
0xcf: {  	[sflag:s28] =	ssyncadd.s32 $0xFFFF6600  }
0xd0: {  	_ =	swait.ge [sflag:s28], $0x9A00  }
0xd1: {  	[sflag:s28] =	ssyncset.done $0x0  }
0xd2: {  	[sflag:s28] =	ssyncadd.s32 $0xFFFF6600  }
0xd3: {  	_ =	swait.ge [sflag:s28], $0x9A00  }
0xd4: {  	[sflag:s28] =	ssyncset.done $0x0  }
0xd5: {  	[sflag:s28] =	ssyncadd.s32 $0xFFFF6600  }
0xd6: {  	_ =	swait.ge [sflag:s28], $0x9A00  }
0xd7: {  	[sflag:s28] =	ssyncset.done $0x0  }
0xd8: {  	[sflag:s28] =	ssyncadd.s32 $0xFFFF6600  }
0xd9: {  	_ =	swait.ge [sflag:s28], $0x9A00  }
0xda: {  	[sflag:s28] =	ssyncset.done $0x0  }
0xdb: {  	[sflag:s28] =	ssyncadd.s32 $0xFFFF6600  }
0xdc: {  	_ =	swait.ge [sflag:s28], $0x9A00  }
0xdd: {  	[sflag:s28] =	ssyncset.done $0x0  }
0xde: {  	[sflag:s28] =	ssyncadd.s32 $0xFFFF6600  }
0xdf: {  	_ =	swait.ge [sflag:s28], $0x9A00  }
0xe0: {  	[sflag:s28] =	ssyncset.done $0x0  }
0xe1: {  	[sflag:s28] =	ssyncadd.s32 $0xFFFF6600  }
0xe2: {  	_ =	swait.ge [sflag:s28], $0x9A00  }
0xe3: {  	[sflag:s28] =	ssyncset.done $0x0  }
0xe4: {  	[sflag:s28] =	ssyncadd.s32 $0xFFFF6600  }
0xe5: {  	_ =	swait.ge [sflag:s28], $0x9A00  }
0xe6: {  	[sflag:s28] =	ssyncset.done $0x0  }
0xe7: {  	[sflag:s28] =	ssyncadd.s32 $0xFFFF6600  }
0xe8: {  	_ =	swait.ge [sflag:s28], $0x9A00  }
0xe9: {  	[sflag:s28] =	ssyncset.done $0x0  }
0xea: {  	[sflag:s28] =	ssyncadd.s32 $0xFFFF6600  }
0xeb: {  	_ =	swait.ge [sflag:s28], $0x9A00  }
0xec: {  	[sflag:s28] =	ssyncset.done $0x0  }
0xed: {  	[sflag:s28] =	ssyncadd.s32 $0xFFFF6600  }
0xee: {  	_ =	swait.ge [sflag:s28], $0x9A00  }
0xef: {  	[sflag:s28] =	ssyncset.done $0x0  }
0xf0: {  	[sflag:s28] =	ssyncadd.s32 $0xFFFF6600  }
0xf1: {  	_ =	swait.ge [sflag:s28], $0x9A00  }
0xf2: {  	[sflag:s28] =	ssyncset.done $0x0  }
0xf3: {  	[sflag:s28] =	ssyncadd.s32 $0xFFFF6600  }
0xf4: {  	_ =	swait.ge [sflag:s28], $0x9A00  }
0xf5: {  	[sflag:s28] =	ssyncset.done $0x0  }
0xf6: {  	[sflag:s28] =	ssyncadd.s32 $0xFFFF6600  }
0xf7: {  	_ =	swait.ge [sflag:s28], $0x9A00  }
0xf8: {  	[sflag:s28] =	ssyncset.done $0x0  }
0xf9: {  	s30 =	simm.s32 $0x19A80;
	[sflag:s28] =	ssyncadd.s32 $0xFFFF6600  }
0xfa: {  	[hbm4b:s4+s7] =	stream.indirect.scatter [tilespmem:s22], [sflag:$0x3], $0x200, s30, s7, $0xb8;
	[tilespmem:$0x19B40] =	vst v63  }
0xfb: {  	s31 =	simm.s32 $0x19B00;
	s29 =	simm.s32 $0x3  }
0xfc: {  	[hbm4b:s4+s7] =	stream.indirect.scatter [tilespmem:s24], [sflag:$0x3], $0x200, s31, s7, $0xb8;
	[tilespmem:$0x19B40] =	vst v63  }
0xfd: {  	_ =	swait.ge [sflag:s29], $0x8000  }
0xfe: {  	v13 =	vor.u32 $0x10, v1;
	[sflag:s29] =	ssyncset.done $0x0  }
0xff: {  	[sflag:s29] =	ssyncadd.s32 $0xFFFF8000  }
0x100: {  	_ =	swait.ge [sflag:s29], $0x8000  }
0x101: {  	[sflag:s29] =	ssyncset.done $0x0  }
0x102: {  	v15 =	vmov s1;
	[sflag:s29] =	ssyncadd.s32 $0xFFFF8000  }
0x103: {  	v15 =	vmul.u32 $0x4D, v15;
	v18 =	vld.idx.msk [tilespmem:v13+s3+$0x0], $0xffff  }
0x104: {  	v21 =	vld.idx.msk [tilespmem:v13+s6+$0x0], $0xffff  }
0x105: {  	v25 =	vbroadcast v15, $0x0;
	_ =	sdelay $0x1  }
0x106: {  	v15 =	vor.u32 $0x14, v1;
	v14 =	vadd.s32 v14, v25  }
0x107: {  	v16 =	vadd.s32 v16, v25;
	[tilespmem:$0x19B00] =	vst v14;
	v18 =	vshll.u32 v18, $0x2  }
0x108: {  	[tilespmem:$0x19A80] =	vst v16;
	v21 =	vshll.u32 v21, $0x2;
	v18 =	vor.u32 v5, v18  }
0x109: {  	[tilespmem:$0x19A40] =	vst v18;
	v18 =	vor.u32 v5, v21  }
0x10a: {  	[tilespmem:$0x19AC0] =	vst v18  }
0x10b: {  	v21 =	vld.idx.msk [tilespmem:v15+s3+$0x0], $0xffff  }
0x10c: {  	v26 =	vld.idx.msk [tilespmem:v15+s6+$0x0], $0xffff;
	_ =	sdelay $0x2  }
0x10d: {  	v17 =	vadd.s32 v17, v25;
	v18 =	vor.u32 $0x18, v1  }
0x10e: {  	v19 =	vadd.s32 v19, v25;
	[tilespmem:$0x19A90] =	vst v17;
	v21 =	vshll.u32 v21, $0x2  }
0x10f: {  	[tilespmem:$0x19B10] =	vst v19;
	v26 =	vshll.u32 v26, $0x2;
	v21 =	vor.u32 v5, v21  }
0x110: {  	[tilespmem:$0x19A50] =	vst v21;
	v21 =	vor.u32 v5, v26  }
0x111: {  	[tilespmem:$0x19AD0] =	vst v21  }
0x112: {  	v26 =	vld.idx.msk [tilespmem:v18+s3+$0x0], $0xffff  }
0x113: {  	v27 =	vld.idx.msk [tilespmem:v18+s6+$0x0], $0xffff;
	_ =	sdelay $0x2  }
0x114: {  	v20 =	vadd.s32 v20, v25;
	v21 =	vor.u32 $0x1C, v1  }
0x115: {  	v22 =	vadd.s32 v22, v25;
	[tilespmem:$0x19B20] =	vst v20;
	v26 =	vshll.u32 v26, $0x2  }
0x116: {  	[tilespmem:$0x19AA0] =	vst v22;
	v27 =	vshll.u32 v27, $0x2;
	v26 =	vor.u32 v5, v26  }
0x117: {  	[tilespmem:$0x19A60] =	vst v26;
	v26 =	vor.u32 v5, v27  }
0x118: {  	[tilespmem:$0x19AE0] =	vst v26  }
0x119: {  	v26 =	vld.idx.msk [tilespmem:v21+s3+$0x0], $0xffff  }
0x11a: {  	v27 =	vld.idx.msk [tilespmem:v21+s6+$0x0], $0xffff;
	_ =	sdelay $0x2  }
0x11b: {  	v23 =	vadd.s32 v23, v25  }
0x11c: {  	v24 =	vadd.s32 v24, v25;
	[tilespmem:$0x19B30] =	vst v23;
	v25 =	vshll.u32 v26, $0x2  }
0x11d: {  	[tilespmem:$0x19AB0] =	vst v24;
	v26 =	vshll.u32 v27, $0x2;
	v25 =	vor.u32 v5, v25  }
0x11e: {  	[tilespmem:$0x19A70] =	vst v25;
	v25 =	vor.u32 v5, v26  }
0x11f: {  	[tilespmem:$0x19AF0] =	vst v25  }
0x120: {  	[tilespmem:s22], [sflag:$0x2] =	stream.indirect.gather [hbm4b:s21+s7], $0x200, s23, s7, $0xb8;
	[tilespmem:$0x19B40] =	vst v63  }
0x121: {  	s0 =	ssub.s32 $0x2, s0  }
0x122: {  	[tilespmem:s24], [sflag:$0x2] =	stream.indirect.gather [hbm4b:s2+s7], $0x200, s25, s7, $0xb8;
	[tilespmem:$0x19B40] =	vst v63  }
0x123: {  	s2 =	sshrl.u32 s0, $0x1  }
0x124: {  	s0 =	ssub.s32 s0, s2  }
0x125: {  	s0 =	smax.u32 s0, $0x1  }
0x126: {  	_ =	swait.ge [sflag:s26], $0x8000;
	p0 =	sne.s32 s0, $0x1  }
.Ltmp0:
0x127: {  	[sflag:s26] =	ssyncset.done $0x0;
	(pc) =	sbr.rel @!p0 .LBB2_2-.Ltmp0, $4  }
0x128: {  	[sflag:s26] =	ssyncadd.s32 $0xFFFF8000  }
0x129: {  	_ =	swait.ge [sflag:s26], $0x8000  }
0x12a: {  	[sflag:s26] =	ssyncset.done $0x0  }
0x12b: {  	s0 =	sadd.s32 $0xFFFFFFFF, s0;
	[sflag:s26] =	ssyncadd.s32 $0xFFFF8000  }
.LBB2_1:
0x12c: {  	[hbm4b:s4+s7] =	stream.indirect.scatter [tilespmem:s22], [sflag:$0x3], $0x200, s30, s7, $0xb8;
	[tilespmem:$0x19B40] =	vst v63  }
0x12d: {  	_ = 	snop  }
0x12e: {  	[hbm4b:s4+s7] =	stream.indirect.scatter [tilespmem:s24], [sflag:$0x3], $0x200, s31, s7, $0xb8;
	[tilespmem:$0x19B40] =	vst v63  }
0x12f: {  	_ =	swait.ge [sflag:s29], $0x8000  }
0x130: {  	[sflag:s29] =	ssyncset.done $0x0  }
0x131: {  	[sflag:s29] =	ssyncadd.s32 $0xFFFF8000  }
0x132: {  	_ =	swait.ge [sflag:s29], $0x8000  }
0x133: {  	[sflag:s29] =	ssyncset.done $0x0  }
0x134: {  	s1 =	rddreg [dreg:$0x6];
	[sflag:s29] =	ssyncadd.s32 $0xFFFF8000  }
0x135: {  	[tilespmem:s3], [sflag:$0x4] =	stream.linear.gather [hbm4b:s1+s3], $0x20, $0x38;
	[tilespmem:$0x19B40] =	vst v63  }
0x136: {  	_ =	swait.ge [sflag:s5], $0x20  }
0x137: {  	[sflag:s5] =	ssyncset.done $0x0  }
0x138: {  	s2 =	rddreg [dreg:$0x7];
	[sflag:s5] =	ssyncadd.s32 $0xFFFFFFE0  }
0x139: {  	[tilespmem:s6], [sflag:$0x4] =	stream.linear.gather [hbm4b:s2+s3], $0x20, $0x38;
	[tilespmem:$0x19B40] =	vst v63  }
0x13a: {  	_ =	swait.ge [sflag:s5], $0x20  }
0x13b: {  	[sflag:s5] =	ssyncset.done $0x0  }
0x13c: {  	s2 =	rddreg [dreg:$0x5];
	[sflag:s5] =	ssyncadd.s32 $0xFFFFFFE0  }
0x13d: {  	[tilespmem:s7], [sflag:$0x4] =	stream.linear.gather [hbm4b:s2+s3], $0x9A00, $0x38;
	[tilespmem:$0x19B40] =	vst v63  }
0x13e: {  	_ =	swait.ge [sflag:s5], $0x9A00  }
0x13f: {  	[sflag:s5] =	ssyncset.done $0x0  }
0x140: {  	s1 =	rddreg [dreg:$0x8];
	[sflag:s5] =	ssyncadd.s32 $0xFFFF6600  }
0x141: {  	[hbm4b:s1+s3] =	stream.linear.scatter [tilespmem:s7], [sflag:$0x1], $0x9A00, $0x38;
	[tilespmem:$0x19B40] =	vst v63  }
0x142: {  	s2 =	rddreg [dreg:$0x9]  }
0x143: {  	[hbm4b:s2+s3] =	stream.linear.scatter [tilespmem:s7], [sflag:$0x1], $0x9A00, $0x38;
	[tilespmem:$0x19B40] =	vst v63  }
0x144: {  	s1 =	rddreg [dreg:$0xa]  }
0x145: {  	[hbm4b:s1+s3] =	stream.linear.scatter [tilespmem:s7], [sflag:$0x1], $0x9A00, $0x38;
	[tilespmem:$0x19B40] =	vst v63  }
0x146: {  	s2 =	rddreg [dreg:$0xb]  }
0x147: {  	[hbm4b:s2+s3] =	stream.linear.scatter [tilespmem:s7], [sflag:$0x1], $0x9A00, $0x38;
	[tilespmem:$0x19B40] =	vst v63  }
0x148: {  	s1 =	rddreg [dreg:$0xc]  }
0x149: {  	[hbm4b:s1+s3] =	stream.linear.scatter [tilespmem:s7], [sflag:$0x1], $0x9A00, $0x38;
	[tilespmem:$0x19B40] =	vst v63  }
0x14a: {  	s2 =	rddreg [dreg:$0xd]  }
0x14b: {  	[hbm4b:s2+s3] =	stream.linear.scatter [tilespmem:s7], [sflag:$0x1], $0x9A00, $0x38;
	[tilespmem:$0x19B40] =	vst v63  }
0x14c: {  	s1 =	rddreg [dreg:$0xe]  }
0x14d: {  	[hbm4b:s1+s3] =	stream.linear.scatter [tilespmem:s7], [sflag:$0x1], $0x9A00, $0x38;
	[tilespmem:$0x19B40] =	vst v63  }
0x14e: {  	s2 =	rddreg [dreg:$0xf]  }
0x14f: {  	[hbm4b:s2+s3] =	stream.linear.scatter [tilespmem:s7], [sflag:$0x1], $0x9A00, $0x38;
	[tilespmem:$0x19B40] =	vst v63  }
0x150: {  	s1 =	rddreg [dreg:$0x10]  }
0x151: {  	[hbm4b:s1+s3] =	stream.linear.scatter [tilespmem:s7], [sflag:$0x1], $0x9A00, $0x38;
	[tilespmem:$0x19B40] =	vst v63  }
0x152: {  	s2 =	rddreg [dreg:$0x11]  }
0x153: {  	[hbm4b:s2+s3] =	stream.linear.scatter [tilespmem:s7], [sflag:$0x1], $0x9A00, $0x38;
	[tilespmem:$0x19B40] =	vst v63  }
0x154: {  	s1 =	rddreg [dreg:$0x12]  }
0x155: {  	[hbm4b:s1+s3] =	stream.linear.scatter [tilespmem:s7], [sflag:$0x1], $0x9A00, $0x38;
	[tilespmem:$0x19B40] =	vst v63  }
0x156: {  	s2 =	rddreg [dreg:$0x13]  }
0x157: {  	[hbm4b:s2+s3] =	stream.linear.scatter [tilespmem:s7], [sflag:$0x1], $0x9A00, $0x38;
	[tilespmem:$0x19B40] =	vst v63  }
0x158: {  	s1 =	rddreg [dreg:$0x14]  }
0x159: {  	[hbm4b:s1+s3] =	stream.linear.scatter [tilespmem:s7], [sflag:$0x1], $0x9A00, $0x38;
	[tilespmem:$0x19B40] =	vst v63  }
0x15a: {  	s2 =	rddreg [dreg:$0x15]  }
0x15b: {  	[hbm4b:s2+s3] =	stream.linear.scatter [tilespmem:s7], [sflag:$0x1], $0x9A00, $0x38;
	[tilespmem:$0x19B40] =	vst v63  }
0x15c: {  	s1 =	rddreg [dreg:$0x16]  }
0x15d: {  	[hbm4b:s1+s3] =	stream.linear.scatter [tilespmem:s7], [sflag:$0x1], $0x9A00, $0x38;
	[tilespmem:$0x19B40] =	vst v63  }
0x15e: {  	s2 =	rddreg [dreg:$0x17]  }
0x15f: {  	[hbm4b:s2+s3] =	stream.linear.scatter [tilespmem:s7], [sflag:$0x1], $0x9A00, $0x38;
	[tilespmem:$0x19B40] =	vst v63  }
0x160: {  	s1 =	rddreg [dreg:$0x18]  }
0x161: {  	[hbm4b:s1+s3] =	stream.linear.scatter [tilespmem:s7], [sflag:$0x1], $0x9A00, $0x38;
	[tilespmem:$0x19B40] =	vst v63  }
0x162: {  	s2 =	rddreg [dreg:$0x19]  }
0x163: {  	[hbm4b:s2+s3] =	stream.linear.scatter [tilespmem:s7], [sflag:$0x1], $0x9A00, $0x38;
	[tilespmem:$0x19B40] =	vst v63  }
0x164: {  	s1 =	rddreg [dreg:$0x1a]  }
0x165: {  	[hbm4b:s1+s3] =	stream.linear.scatter [tilespmem:s7], [sflag:$0x1], $0x9A00, $0x38;
	[tilespmem:$0x19B40] =	vst v63  }
0x166: {  	_ = 	snop  }
0x167: {  	[hbm4b:s8+s3] =	stream.linear.scatter [tilespmem:s7], [sflag:$0x1], $0x9A00, $0x38;
	[tilespmem:$0x19B40] =	vst v63  }
0x168: {  	_ = 	snop  }
0x169: {  	[hbm4b:s9+s3] =	stream.linear.scatter [tilespmem:s7], [sflag:$0x1], $0x9A00, $0x38;
	[tilespmem:$0x19B40] =	vst v63  }
0x16a: {  	_ = 	snop  }
0x16b: {  	[hbm4b:s10+s3] =	stream.linear.scatter [tilespmem:s7], [sflag:$0x1], $0x9A00, $0x38;
	[tilespmem:$0x19B40] =	vst v63  }
0x16c: {  	_ = 	snop  }
0x16d: {  	[hbm4b:s11+s3] =	stream.linear.scatter [tilespmem:s7], [sflag:$0x1], $0x9A00, $0x38;
	[tilespmem:$0x19B40] =	vst v63  }
0x16e: {  	_ = 	snop  }
0x16f: {  	[hbm4b:s12+s3] =	stream.linear.scatter [tilespmem:s7], [sflag:$0x1], $0x9A00, $0x38;
	[tilespmem:$0x19B40] =	vst v63  }
0x170: {  	_ = 	snop  }
0x171: {  	[hbm4b:s13+s3] =	stream.linear.scatter [tilespmem:s7], [sflag:$0x1], $0x9A00, $0x38;
	[tilespmem:$0x19B40] =	vst v63  }
0x172: {  	_ = 	snop  }
0x173: {  	[hbm4b:s14+s3] =	stream.linear.scatter [tilespmem:s7], [sflag:$0x1], $0x9A00, $0x38;
	[tilespmem:$0x19B40] =	vst v63  }
0x174: {  	_ = 	snop  }
0x175: {  	[hbm4b:s15+s3] =	stream.linear.scatter [tilespmem:s7], [sflag:$0x1], $0x9A00, $0x38;
	[tilespmem:$0x19B40] =	vst v63  }
0x176: {  	_ = 	snop  }
0x177: {  	[hbm4b:s16+s3] =	stream.linear.scatter [tilespmem:s7], [sflag:$0x1], $0x9A00, $0x38;
	[tilespmem:$0x19B40] =	vst v63  }
0x178: {  	_ = 	snop  }
0x179: {  	[hbm4b:s17+s3] =	stream.linear.scatter [tilespmem:s7], [sflag:$0x1], $0x9A00, $0x38;
	[tilespmem:$0x19B40] =	vst v63  }
0x17a: {  	_ = 	snop  }
0x17b: {  	[hbm4b:s18+s3] =	stream.linear.scatter [tilespmem:s7], [sflag:$0x1], $0x9A00, $0x38;
	[tilespmem:$0x19B40] =	vst v63  }
0x17c: {  	_ = 	snop  }
0x17d: {  	[hbm4b:s19+s3] =	stream.linear.scatter [tilespmem:s7], [sflag:$0x1], $0x9A00, $0x38;
	[tilespmem:$0x19B40] =	vst v63  }
0x17e: {  	_ = 	snop  }
0x17f: {  	[hbm4b:s20+s3] =	stream.linear.scatter [tilespmem:s7], [sflag:$0x1], $0x9A00, $0x38;
	[tilespmem:$0x19B40] =	vst v63  }
0x180: {  	v25 =	vld.idx.msk [tilespmem:v1+s3+$0x0], $0xffff  }
0x181: {  	v26 =	vld.idx.msk [tilespmem:v1+s6+$0x0], $0xffff;
	_ =	sdelay $0x3  }
0x182: {  	[tilespmem:$0x19A80] =	vst v0;
	v25 =	vshll.u32 v25, $0x2  }
0x183: {  	[tilespmem:$0x19B00] =	vst v2;
	v26 =	vshll.u32 v26, $0x2;
	v25 =	vor.u32 v5, v25  }
0x184: {  	[tilespmem:$0x19A40] =	vst v25;
	v25 =	vor.u32 v5, v26  }
0x185: {  	[tilespmem:$0x19AC0] =	vst v25  }
0x186: {  	v25 =	vld.idx.msk [tilespmem:v4+s3+$0x0], $0xffff  }
0x187: {  	v26 =	vld.idx.msk [tilespmem:v4+s6+$0x0], $0xffff;
	_ =	sdelay $0x3  }
0x188: {  	[tilespmem:$0x19A90] =	vst v3;
	v25 =	vshll.u32 v25, $0x2  }
0x189: {  	[tilespmem:$0x19B10] =	vst v7;
	v26 =	vshll.u32 v26, $0x2;
	v25 =	vor.u32 v5, v25  }
0x18a: {  	[tilespmem:$0x19A50] =	vst v25;
	v25 =	vor.u32 v5, v26  }
0x18b: {  	[tilespmem:$0x19AD0] =	vst v25  }
0x18c: {  	v25 =	vld.idx.msk [tilespmem:v6+s3+$0x0], $0xffff  }
0x18d: {  	v26 =	vld.idx.msk [tilespmem:v6+s6+$0x0], $0xffff;
	_ =	sdelay $0x3  }
0x18e: {  	[tilespmem:$0x19AA0] =	vst v8;
	v25 =	vshll.u32 v25, $0x2  }
0x18f: {  	[tilespmem:$0x19B20] =	vst v9;
	v26 =	vshll.u32 v26, $0x2;
	v25 =	vor.u32 v5, v25  }
0x190: {  	[tilespmem:$0x19A60] =	vst v25;
	v25 =	vor.u32 v5, v26  }
0x191: {  	[tilespmem:$0x19AE0] =	vst v25  }
0x192: {  	v25 =	vld.idx.msk [tilespmem:v10+s3+$0x0], $0xffff  }
0x193: {  	v26 =	vld.idx.msk [tilespmem:v10+s6+$0x0], $0xffff;
	_ =	sdelay $0x3  }
0x194: {  	[tilespmem:$0x19AB0] =	vst v11;
	v25 =	vshll.u32 v25, $0x2  }
0x195: {  	[tilespmem:$0x19B30] =	vst v12;
	v26 =	vshll.u32 v26, $0x2;
	v25 =	vor.u32 v5, v25  }
0x196: {  	[tilespmem:$0x19A70] =	vst v25;
	v25 =	vor.u32 v5, v26  }
0x197: {  	[tilespmem:$0x19AF0] =	vst v25  }
0x198: {  	[tilespmem:s22], [sflag:$0x2] =	stream.indirect.gather [hbm4b:s21+s7], $0x200, s23, s7, $0xb8;
	[tilespmem:$0x19B40] =	vst v63  }
0x199: {  	s2 =	rddreg [dreg:$0x1]  }
0x19a: {  	[tilespmem:s24], [sflag:$0x2] =	stream.indirect.gather [hbm4b:s2+s7], $0x200, s25, s7, $0xb8;
	[tilespmem:$0x19B40] =	vst v63  }
0x19b: {  	_ =	swait.ge [sflag:s26], $0x8000  }
0x19c: {  	[sflag:s26] =	ssyncset.done $0x0  }
0x19d: {  	[sflag:s26] =	ssyncadd.s32 $0xFFFF8000  }
0x19e: {  	_ =	swait.ge [sflag:s26], $0x8000  }
0x19f: {  	[sflag:s26] =	ssyncset.done $0x0  }
0x1a0: {  	[sflag:s26] =	ssyncadd.s32 $0xFFFF8000  }
0x1a1: {  	_ =	swait.ge [sflag:s28], $0x9A00  }
0x1a2: {  	[sflag:s28] =	ssyncset.done $0x0  }
0x1a3: {  	[sflag:s28] =	ssyncadd.s32 $0xFFFF6600  }
0x1a4: {  	_ =	swait.ge [sflag:s28], $0x9A00  }
0x1a5: {  	[sflag:s28] =	ssyncset.done $0x0  }
0x1a6: {  	[sflag:s28] =	ssyncadd.s32 $0xFFFF6600  }
0x1a7: {  	_ =	swait.ge [sflag:s28], $0x9A00  }
0x1a8: {  	[sflag:s28] =	ssyncset.done $0x0  }
0x1a9: {  	[sflag:s28] =	ssyncadd.s32 $0xFFFF6600  }
0x1aa: {  	_ =	swait.ge [sflag:s28], $0x9A00  }
0x1ab: {  	[sflag:s28] =	ssyncset.done $0x0  }
0x1ac: {  	[sflag:s28] =	ssyncadd.s32 $0xFFFF6600  }
0x1ad: {  	_ =	swait.ge [sflag:s28], $0x9A00  }
0x1ae: {  	[sflag:s28] =	ssyncset.done $0x0  }
0x1af: {  	[sflag:s28] =	ssyncadd.s32 $0xFFFF6600  }
0x1b0: {  	_ =	swait.ge [sflag:s28], $0x9A00  }
0x1b1: {  	[sflag:s28] =	ssyncset.done $0x0  }
0x1b2: {  	[sflag:s28] =	ssyncadd.s32 $0xFFFF6600  }
0x1b3: {  	_ =	swait.ge [sflag:s28], $0x9A00  }
0x1b4: {  	[sflag:s28] =	ssyncset.done $0x0  }
0x1b5: {  	[sflag:s28] =	ssyncadd.s32 $0xFFFF6600  }
0x1b6: {  	_ =	swait.ge [sflag:s28], $0x9A00  }
0x1b7: {  	[sflag:s28] =	ssyncset.done $0x0  }
0x1b8: {  	[sflag:s28] =	ssyncadd.s32 $0xFFFF6600  }
0x1b9: {  	_ =	swait.ge [sflag:s28], $0x9A00  }
0x1ba: {  	[sflag:s28] =	ssyncset.done $0x0  }
0x1bb: {  	[sflag:s28] =	ssyncadd.s32 $0xFFFF6600  }
0x1bc: {  	_ =	swait.ge [sflag:s28], $0x9A00  }
0x1bd: {  	[sflag:s28] =	ssyncset.done $0x0  }
0x1be: {  	[sflag:s28] =	ssyncadd.s32 $0xFFFF6600  }
0x1bf: {  	_ =	swait.ge [sflag:s28], $0x9A00  }
0x1c0: {  	[sflag:s28] =	ssyncset.done $0x0  }
0x1c1: {  	[sflag:s28] =	ssyncadd.s32 $0xFFFF6600  }
0x1c2: {  	_ =	swait.ge [sflag:s28], $0x9A00  }
0x1c3: {  	[sflag:s28] =	ssyncset.done $0x0  }
0x1c4: {  	[sflag:s28] =	ssyncadd.s32 $0xFFFF6600  }
0x1c5: {  	_ =	swait.ge [sflag:s28], $0x9A00  }
0x1c6: {  	[sflag:s28] =	ssyncset.done $0x0  }
0x1c7: {  	[sflag:s28] =	ssyncadd.s32 $0xFFFF6600  }
0x1c8: {  	_ =	swait.ge [sflag:s28], $0x9A00  }
0x1c9: {  	[sflag:s28] =	ssyncset.done $0x0  }
0x1ca: {  	[sflag:s28] =	ssyncadd.s32 $0xFFFF6600  }
0x1cb: {  	_ =	swait.ge [sflag:s28], $0x9A00  }
0x1cc: {  	[sflag:s28] =	ssyncset.done $0x0  }
0x1cd: {  	[sflag:s28] =	ssyncadd.s32 $0xFFFF6600  }
0x1ce: {  	_ =	swait.ge [sflag:s28], $0x9A00  }
0x1cf: {  	[sflag:s28] =	ssyncset.done $0x0  }
0x1d0: {  	[sflag:s28] =	ssyncadd.s32 $0xFFFF6600  }
0x1d1: {  	_ =	swait.ge [sflag:s28], $0x9A00  }
0x1d2: {  	[sflag:s28] =	ssyncset.done $0x0  }
0x1d3: {  	[sflag:s28] =	ssyncadd.s32 $0xFFFF6600  }
0x1d4: {  	_ =	swait.ge [sflag:s28], $0x9A00  }
0x1d5: {  	[sflag:s28] =	ssyncset.done $0x0  }
0x1d6: {  	[sflag:s28] =	ssyncadd.s32 $0xFFFF6600  }
0x1d7: {  	_ =	swait.ge [sflag:s28], $0x9A00  }
0x1d8: {  	[sflag:s28] =	ssyncset.done $0x0  }
0x1d9: {  	[sflag:s28] =	ssyncadd.s32 $0xFFFF6600  }
0x1da: {  	_ =	swait.ge [sflag:s28], $0x9A00  }
0x1db: {  	[sflag:s28] =	ssyncset.done $0x0  }
0x1dc: {  	[sflag:s28] =	ssyncadd.s32 $0xFFFF6600  }
0x1dd: {  	_ =	swait.ge [sflag:s28], $0x9A00  }
0x1de: {  	[sflag:s28] =	ssyncset.done $0x0  }
0x1df: {  	[sflag:s28] =	ssyncadd.s32 $0xFFFF6600  }
0x1e0: {  	_ =	swait.ge [sflag:s28], $0x9A00  }
0x1e1: {  	[sflag:s28] =	ssyncset.done $0x0  }
0x1e2: {  	[sflag:s28] =	ssyncadd.s32 $0xFFFF6600  }
0x1e3: {  	_ =	swait.ge [sflag:s28], $0x9A00  }
0x1e4: {  	[sflag:s28] =	ssyncset.done $0x0  }
0x1e5: {  	[sflag:s28] =	ssyncadd.s32 $0xFFFF6600  }
0x1e6: {  	_ =	swait.ge [sflag:s28], $0x9A00  }
0x1e7: {  	[sflag:s28] =	ssyncset.done $0x0  }
0x1e8: {  	[sflag:s28] =	ssyncadd.s32 $0xFFFF6600  }
0x1e9: {  	_ =	swait.ge [sflag:s28], $0x9A00  }
0x1ea: {  	[sflag:s28] =	ssyncset.done $0x0  }
0x1eb: {  	[sflag:s28] =	ssyncadd.s32 $0xFFFF6600  }
0x1ec: {  	_ =	swait.ge [sflag:s28], $0x9A00  }
0x1ed: {  	[sflag:s28] =	ssyncset.done $0x0  }
0x1ee: {  	[sflag:s28] =	ssyncadd.s32 $0xFFFF6600  }
0x1ef: {  	_ =	swait.ge [sflag:s28], $0x9A00  }
0x1f0: {  	[sflag:s28] =	ssyncset.done $0x0  }
0x1f1: {  	[sflag:s28] =	ssyncadd.s32 $0xFFFF6600  }
0x1f2: {  	_ =	swait.ge [sflag:s28], $0x9A00  }
0x1f3: {  	[sflag:s28] =	ssyncset.done $0x0  }
0x1f4: {  	[sflag:s28] =	ssyncadd.s32 $0xFFFF6600  }
0x1f5: {  	_ =	swait.ge [sflag:s28], $0x9A00  }
0x1f6: {  	[sflag:s28] =	ssyncset.done $0x0  }
0x1f7: {  	[sflag:s28] =	ssyncadd.s32 $0xFFFF6600  }
0x1f8: {  	_ =	swait.ge [sflag:s28], $0x9A00  }
0x1f9: {  	[sflag:s28] =	ssyncset.done $0x0  }
0x1fa: {  	[sflag:s28] =	ssyncadd.s32 $0xFFFF6600  }
0x1fb: {  	_ =	swait.ge [sflag:s28], $0x9A00  }
0x1fc: {  	[sflag:s28] =	ssyncset.done $0x0  }
0x1fd: {  	[sflag:s28] =	ssyncadd.s32 $0xFFFF6600  }
0x1fe: {  	_ =	swait.ge [sflag:s28], $0x9A00  }
0x1ff: {  	[sflag:s28] =	ssyncset.done $0x0  }
0x200: {  	[sflag:s28] =	ssyncadd.s32 $0xFFFF6600  }
0x201: {  	[hbm4b:s4+s7] =	stream.indirect.scatter [tilespmem:s22], [sflag:$0x3], $0x200, s30, s7, $0xb8;
	[tilespmem:$0x19B40] =	vst v63  }
0x202: {  	_ = 	snop  }
0x203: {  	[hbm4b:s4+s7] =	stream.indirect.scatter [tilespmem:s24], [sflag:$0x3], $0x200, s31, s7, $0xb8;
	[tilespmem:$0x19B40] =	vst v63  }
0x204: {  	_ =	swait.ge [sflag:s29], $0x8000  }
0x205: {  	[sflag:s29] =	ssyncset.done $0x0  }
0x206: {  	[sflag:s29] =	ssyncadd.s32 $0xFFFF8000  }
0x207: {  	_ =	swait.ge [sflag:s29], $0x8000  }
0x208: {  	[sflag:s29] =	ssyncset.done $0x0  }
0x209: {  	[sflag:s29] =	ssyncadd.s32 $0xFFFF8000  }
0x20a: {  	v25 =	vld.idx.msk [tilespmem:v13+s3+$0x0], $0xffff  }
0x20b: {  	v26 =	vld.idx.msk [tilespmem:v13+s6+$0x0], $0xffff;
	_ =	sdelay $0x3  }
0x20c: {  	[tilespmem:$0x19B00] =	vst v14;
	v25 =	vshll.u32 v25, $0x2  }
0x20d: {  	[tilespmem:$0x19A80] =	vst v16;
	v26 =	vshll.u32 v26, $0x2;
	v25 =	vor.u32 v5, v25  }
0x20e: {  	[tilespmem:$0x19A40] =	vst v25;
	v25 =	vor.u32 v5, v26  }
0x20f: {  	[tilespmem:$0x19AC0] =	vst v25  }
0x210: {  	v25 =	vld.idx.msk [tilespmem:v15+s3+$0x0], $0xffff  }
0x211: {  	v26 =	vld.idx.msk [tilespmem:v15+s6+$0x0], $0xffff;
	_ =	sdelay $0x3  }
0x212: {  	[tilespmem:$0x19A90] =	vst v17;
	v25 =	vshll.u32 v25, $0x2  }
0x213: {  	[tilespmem:$0x19B10] =	vst v19;
	v26 =	vshll.u32 v26, $0x2;
	v25 =	vor.u32 v5, v25  }
0x214: {  	[tilespmem:$0x19A50] =	vst v25;
	v25 =	vor.u32 v5, v26  }
0x215: {  	[tilespmem:$0x19AD0] =	vst v25  }
0x216: {  	v25 =	vld.idx.msk [tilespmem:v18+s3+$0x0], $0xffff  }
0x217: {  	v26 =	vld.idx.msk [tilespmem:v18+s6+$0x0], $0xffff;
	_ =	sdelay $0x3  }
0x218: {  	[tilespmem:$0x19B20] =	vst v20;
	v25 =	vshll.u32 v25, $0x2  }
0x219: {  	[tilespmem:$0x19AA0] =	vst v22;
	v26 =	vshll.u32 v26, $0x2;
	v25 =	vor.u32 v5, v25  }
0x21a: {  	[tilespmem:$0x19A60] =	vst v25;
	v25 =	vor.u32 v5, v26  }
0x21b: {  	[tilespmem:$0x19AE0] =	vst v25  }
0x21c: {  	v25 =	vld.idx.msk [tilespmem:v21+s3+$0x0], $0xffff  }
0x21d: {  	v26 =	vld.idx.msk [tilespmem:v21+s6+$0x0], $0xffff;
	_ =	sdelay $0x3  }
0x21e: {  	[tilespmem:$0x19B30] =	vst v23;
	v25 =	vshll.u32 v25, $0x2  }
0x21f: {  	[tilespmem:$0x19AB0] =	vst v24;
	v26 =	vshll.u32 v26, $0x2;
	v25 =	vor.u32 v5, v25  }
0x220: {  	[tilespmem:$0x19A70] =	vst v25;
	v25 =	vor.u32 v5, v26  }
0x221: {  	[tilespmem:$0x19AF0] =	vst v25  }
0x222: {  	[tilespmem:s22], [sflag:$0x2] =	stream.indirect.gather [hbm4b:s21+s7], $0x200, s23, s7, $0xb8;
	[tilespmem:$0x19B40] =	vst v63  }
0x223: {  	_ = 	snop  }
0x224: {  	[tilespmem:s24], [sflag:$0x2] =	stream.indirect.gather [hbm4b:s2+s7], $0x200, s25, s7, $0xb8;
	[tilespmem:$0x19B40] =	vst v63  }
0x225: {  	p0 =	sne.s32 s0, $0x1;
	_ =	swait.ge [sflag:s26], $0x8000  }
.Ltmp1:
0x226: {  	[sflag:s26] =	ssyncset.done $0x0;
	(pc) =	sbr.rel @p0 .LBB2_1-.Ltmp1, $4  }
0x227: {  	[sflag:s26] =	ssyncadd.s32 $0xFFFF8000  }
0x228: {  	_ =	swait.ge [sflag:s26], $0x8000  }
0x229: {  	[sflag:s26] =	ssyncset.done $0x0  }
0x22a: {  	s0 =	sadd.s32 $0xFFFFFFFF, s0;
	[sflag:s26] =	ssyncadd.s32 $0xFFFF8000  }
.LBB2_2:
0x22b: {  	[hbm4b:s4+s7] =	stream.indirect.scatter [tilespmem:s22], [sflag:$0x3], $0x200, s30, s7, $0xb8;
	[tilespmem:$0x19B40] =	vst v63  }
0x22c: {  	_ = 	snop  }
0x22d: {  	[hbm4b:s4+s7] =	stream.indirect.scatter [tilespmem:s24], [sflag:$0x3], $0x200, s31, s7, $0xb8;
	[tilespmem:$0x19B40] =	vst v63  }
0x22e: {  	_ =	swait.ge [sflag:s29], $0x8000  }
0x22f: {  	[sflag:s29] =	ssyncset.done $0x0  }
0x230: {  	[sflag:s29] =	ssyncadd.s32 $0xFFFF8000  }
0x231: {  	_ =	swait.ge [sflag:s29], $0x8000  }
0x232: {  	[sflag:s29] =	ssyncset.done $0x0  }
0x233: {  	[sflag:s29] =	ssyncadd.s32 $0xFFFF8000  }
0x234: {  	_ =	sfence.sel $0x180000  }
0x235: {  	[bflag:$0x0] =	sbarrier.arrive $0xFFFF  }
0x236: {  	_ =	strace $0x9000004A  }
0x237: {  	s0 =	stileid.u32;
	[bflag:$0x2] =	sbarrier.arrive $0xFFFF  }
0x238: {  	p0 =	sne.s32 s0, $0x0;
	s0 =	rddreg [dreg:$0x4]  }
0x239: {  	s0 =	sadd.s32 @!p0 $0x100000, s0  }
0x23a: {  	[sflag:s0] =	ssyncadd.tile.s32 @!p0 $0x1;
	_ =	shalt  }
.Lfunc_end2:
_tile_overlayer_lowered:
.L_overlay_start_2:
0x23b: {  	(tag) =	ssettag $0x2  }
0x23c: {  	s0 =	rddreg [dreg:$0x0];
	s2 =	stileid.u32  }
0x23d: {  	s1 =	rddreg [dreg:$0x1];
	p0 =	sne.s32 s2, $0x0  }
0x23e: {  	s3 =	rddreg [dreg:$0x2];
	[bflag:$0x3] =	sbarrier.arrive $0xFFFF;
	s2 =	simm.s32 @!p0 $0x1C04  }
0x23f: {  	[timem:s3], [sflag:s2] =	dma.local @!p0 [hbm:s0], s1  }
0x240: {  	s0 =	simm.s32 @!p0 $0x4  }
0x241: {  	_ =	swait.ge @!p0 [sflag:s0], s1  }
0x242: {  	s1 =	ssub.s32 @!p0 $0x0, s1;
	[sflag:s0] =	ssyncset.done @!p0 $0x0  }
0x243: {  	[sflag:s0] =	ssyncadd.s32 @!p0 s1  }
0x244: {  	[bflag:$0x3] =	sbarrier.arrive $0xFFFF  }
0x245: {  	_ =	shalt  }

// kernel: sparse-core-data-format-call.cloned.1.call-start
scs
called_computation_lowered:
.L_overlay_start_0:
0x0: {  	s2 =	sld [smem:$0x3FD9]  }
0x1: {  	s3 =	sld [smem:$0x3FFE];
	_ =	sdelay $0x1  }
0x2: {  	s1 =	srdreg.scid  }
0x3: {  	s0 =	sand.u32 $0x1, s1  }
0x4: {  	s18 =	sshll.u32 s0, $0xA;
	s2 =	sadd.s32 s3, s2  }
0x5: {  	s2 =	sadd.s32 s2, s18  }
0x6: {  	[smem:$0x3FC3] =	sst s2  }
0x7: {  	_ = 	snop  }
0x8: {  	s2 =	sld [smem:$0x3FC7];
	(tm) =	ssettm $0x1  }
0x9: {  	s19 =	sld [smem:$0x3FFB];
	_ =	sdelay $0x3  }
0xa: {  	_ =	strace s19  }
0xb: {  	s3 =	sld [smem:$0x3FFC];
	_ =	sdelay $0x3  }
0xc: {  	_ =	strace s3  }
0xd: {  	s3 =	sld [smem:$0x3FFD];
	_ =	sdelay $0x3  }
0xe: {  	_ =	strace s3  }
0xf: {  	_ =	strace $0x8FFFFFFF  }
0x10: {  	s20 =	sld [smem:$0x3FDB];
	_ =	sdelay $0x1  }
0x11: {  	s4 =	simm.s32 $_scs_section_size  }
0x12: {  	s5 =	simm.s32 $_size__tile_overlayer_lowered;
	s6 =	simm.s32 $_tile_overlayer_lowered  }
0x13: {  	s23 =	simm.s32 $0x1BFF;
	s22 =	sshll.u32 s6, $0x1;
	s3 =	sadd.s32 s4, s20  }
0x14: {  	s7 =	simm.s32 $0x0;
	s21 =	sshll.u32 s5, $0x1;
	s5 =	sadd.s32 s22, s3  }
0x15: {  	[timem:s7], [sflag:s23] =	dma.local [hbm:s5], s21  }
0x16: {  	_ =	swait.ge [sflag:s23], s21  }
0x17: {  	s4 =	ssub.s32 $0x0, s21;
	[sflag:s23] =	ssyncset.done $0x0  }
0x18: {  	[sflag:s23] =	ssyncadd.s32 s4;
	_ =	sdelay $0x1  }
0x19: {  	s24 =	simm.s32 $0x1B8B  }
0x1a: {  	_ =	swait.ge [sflag:s24], $0x1  }
0x1b: {  	[sflag:s24] =	ssyncset.done $0x0  }
0x1c: {  	s26 =	simm.s32 $0x1B8E;
	s25 =	sld [smem:$0x3FFE];
	[sflag:s24] =	ssyncadd.s32 $0xFFFFFFFF  }
0x1d: {  	s27 =	simm.s32 $execute0_lowered;
	[smem:$0x3FD2] =	sst s26  }
0x1e: {  	s5 =	sshll.u32 s27, $0x1;
	_ =	strace $0x80000046;
	[dreg:$0x1] =	wrdreg $0xFFFFFFFF  }
0x1f: {  	s28 =	simm.s32 $_size_execute0_lowered;
	s3 =	sadd.s32 s3, s5;
	[dreg:$0x0] =	wrdreg $0x0  }
0x20: {  	s5 =	sshll.u32 s28, $0x1;
	[dreg:$0x2] =	wrdreg s3  }
0x21: {  	[dreg:$0x3] =	wrdreg s5  }
0x22: {  	[dreg:$0x4] =	wrdreg $0xC0  }
0x23: {  	_ =	task [dreg:s7], $0x5FFFF  }
0x24: {  	[dreg:$0x1] =	wrdreg $0xFFFFFFFF  }
0x25: {  	[dreg:$0x0] =	wrdreg $0x60  }
0x26: {  	[dreg:$0x2] =	wrdreg s2  }
0x27: {  	[dreg:$0x3] =	wrdreg s25  }
0x28: {  	[dreg:$0x4] =	wrdreg $0x9  }
0x29: {  	_ =	task.clear_ibuf [dreg:s7], $0x5FFFF;
	_ =	strace $0x90000046  }
0x2a: {  	s29 =	simm.s32 $0x9;
	_ =	strace $0x80000048  }
0x2b: {  	_ =	swait.ge [sflag:s29], $0x1  }
0x2c: {  	[sflag:s29] =	ssyncadd.s32 $0xFFFFFFFF  }
0x2d: {  	_ =	strace $0x90000048  }
0x2e: {  	_ =	sfence  }
0x2f: {  	s30 =	sld [smem:$0x0];
	_ =	sdelay $0x2  }
0x30: {  	s31 =	sshll.u32 s1, $0xD;
	s1 =	sshrl.u32 s1, $0x2  }
0x31: {  	s3 =	sand.u32 $0x4000, s31;
	s1 =	sadd.s32 s1, s30  }
0x32: {  	s0 =	sor.u32 s3, s0;
	s1 =	sshll.u32 s1, $0x11  }
0x33: {  	s0 =	sor.u32 s1, s0  }
0x34: {  	s0 =	sadd.s32 $0x8F2B, s0  }
0x35: {  	[sflag:s0] =	ssyncadd.remote.s32 $0x1  }
0x36: {  	_ =	sfence.sel $0xFFFF  }
0x37: {  	[dreg:$0x0] =	wrdreg $0xFFFFFFFF;
	(pc) =	sbr.abs _section_cstart, $3  }
0x38: {  	[dreg:$0x1] =	wrdreg $0xFFFFFFFF  }
0x39: {  	_ =	task.clear_ibuf [dreg:s7], $0x2FFFF;
	_ =	strace $0x9FFFFFFF  }
0x3a: {  	(tm) =	ssettm $0x7FFFFFFF  }
0x3b: {  	_ =	shalt  }
tec
execute0_lowered:
.L_overlay_start_1:
0x0: {  	(tag) =	ssettag $0x1  }
0x1: {  	s0 =	srdreg.scid  }
0x2: {  	s1 =	sshll.u32 s0, $0x4  }
0x3: {  	s2 =	rddreg [dreg:$0x0];
	s0 =	stileid.u32;
	s1 =	sand.u32 $0x10, s1  }
0x4: {  	s4 =	rddreg [dreg:$0x1];
	s7 =	simm.s32 $0x1;
	s1 =	sor.u32 s0, s1  }
0x5: {  	s8 =	simm.s32 $0x2;
	s9 =	simm.s32 $0x0;
	s3 =	sshll.u32 s1, $0x2  }
0x6: {  	s12 =	simm.s32 $0x0;
	s11 =	simm.s32 $0x0;
	s6 =	ssub.s32 $0xC350, s3  }
.Ltmp0:
0x7: {  	s4 =	sadd.s32 $0xC00, s4;
	s5 =	sand.u32 $0x7C, s6;
	(pc) =	sbr.rel .LBB1_1-.Ltmp0, $4  }
0x8: {  	s1 =	rddreg [dreg:$0x2];
	_ =	strace $0x80000047;
	p0 =	sne.s32 s5, $0x0  }
0x9: {  	s6 =	sshrl.u32 s6, $0x7;
	s5 =	simm.s32 $0x1;
	s7 =	simm.s32 @!p0 $0x0  }
0xa: {  	s10 =	smov.u32 s3;
	[sflag:s5] =	ssyncpa.u1 $0x0;
	s6 =	sadd.s32 s7, s6  }
0xb: {  	[sflag:s8] =	ssyncpa.u1 $0x0;
	s8 =	simm.s32 $0x0;
	s7 =	sadd.s32 $0x1, s6  }
.LBB1_9:
0xc: {  	s14 =	sadd.s32 $0x80, s10  }
0xd: {  	p1 =	sgt.s32 s14, $0xC34F  }
0xe: {  	s14 =	smov.u32 @p1 s3;
	p1 =	sne.s32 s11, s7  }
.Ltmp1:
0xf: {  	p0 =	slt.u32 s11, $0x2;
	(pc) =	sbr.rel @!p1 .LBB1_10-.Ltmp1, $4  }
0x10: {  	s13 =	simm.s32 @!p0 $0x2  }
0x11: {  	s15 =	sadd.s32 $0x1, s11;
	_ =	swait.ge @!p0 [sflag:s13], $0x4000  }
0x12: {  	s12 =	smov.u32 s10;
	s9 =	sadd.s32 $0x4000, s9;
	[sflag:s13] =	ssyncset.done @!p0 $0x0  }
0x13: {  	s11 =	smov.u32 s15;
	s10 =	smov.u32 s14;
	[sflag:s13] =	ssyncadd.s32 @!p0 $0xFFFFC000  }
.LBB1_1:
0x14: {  	p0 =	sge.u32 s11, s6  }
0x15: {  	s13 =	sxor.u32 @!p0 $0xFFFFFFFF, s11  }
0x16: {  	s31 =	sadd.s32 $0xFFFFFFFF, s11;
	s14 =	sshll.u32 @!p0 s10, $0x9;
	s13 =	sshll.u32 @!p0 s13, $0xE  }
0x17: {  	s15 =	simm.s32 @!p0 $0x0;
	s14 =	sadd.s32 @!p0 s2, s14;
	s13 =	sand.u32 @!p0 $0x4000, s13  }
0x18: {  	[tilespmem:s13], [sflag:$0x1] =	stream.linear.gather @!p0 [hbm4b:s14+s15], $0x4000, $0x38;
	[tilespmem:$0x10000] =	vst v63  }
0x19: {  	p0 =	sge.u32 s31, s6  }
.Ltmp2:
0x1a: {  	_ = 	snop;
	(pc) =	sbr.rel @p0 .LBB1_9-.Ltmp2, $1  }
0x1b: {  	_ =	sdelay $0x3  }
0x1c: {  	s14 =	sand.u32 $0x4000, s9  }
0x1d: {  	_ =	swait.ge [sflag:s5], $0x4000;
	s15 =	sshll.u32 s11, $0xE;
	s16 =	simm.s32 $0x0  }
0x1e: {  	s13 =	sor.u32 $0x40, s14;
	[sflag:s5] =	ssyncset.done $0x0;
	s15 =	sand.u32 $0x4000, s15  }
0x1f: {  	s14 =	sor.u32 $0x8040, s14;
	[sflag:s5] =	ssyncadd.s32 $0xFFFFC000;
	s15 =	sor.u32 $0x8000, s15  }
.LBB1_3:
0x20: {  	s17 =	smov.u32 s14;
	s18 =	smov.u32 s13;
	s19 =	simm.s32 $0x0  }
.LBB1_4:
0x21: {  	v0 =	vmov s17;
	v2 =	vld [tilespmem:s18+$0x30]  }
0x22: {  	v4 =	vld [tilespmem:s18+$0xFFFFFFD0]  }
0x23: {  	v6 =	vld [tilespmem:s18+$0xFFFFFFE0]  }
0x24: {  	v7 =	vld [tilespmem:s18+$0xFFFFFFF0]  }
0x25: {  	s20 =	simm.s32 $0x0;
	v1 =	vld [tilespmem:s18+$0x0]  }
0x26: {  	v3 =	vld [tilespmem:s18+$0x10];
	[tilespmem:v0+s20+$0x30 ss:$0x1] =	vst.idx.msk $0xffff, v2  }
0x27: {  	v5 =	vld [tilespmem:s18+$0x20];
	[tilespmem:v0+s20+$0xFFFFFFD0 ss:$0x1] =	vst.idx.msk $0xffff, v4  }
0x28: {  	s21 =	sadd.s32 $0x80, s18;
	v2 =	vld [tilespmem:s18+$0xFFFFFFC0];
	[tilespmem:v0+s20+$0xFFFFFFE0 ss:$0x1] =	vst.idx.msk $0xffff, v6  }
0x29: {  	s22 =	simm.s32 $0x800;
	s23 =	simm.s32 $0x1000;
	v4 =	vld [tilespmem:s21+$0x30];
	[tilespmem:v0+s20+$0xFFFFFFF0 ss:$0x1] =	vst.idx.msk $0xffff, v7  }
.LBB1_5:
0x2a: {  	p0 =	sne.s32 s23, $0x3800;
	v6 =	vld [tilespmem:s21+$0xFFFFFFD0];
	[tilespmem:v0+s20+$0x0 ss:$0x1] =	vst.idx.msk $0xffff, v1  }
0x2b: {  	v7 =	vld [tilespmem:s21+$0xFFFFFFE0];
	[tilespmem:v0+s20+$0x10 ss:$0x1] =	vst.idx.msk $0xffff, v3  }
0x2c: {  	v8 =	vld [tilespmem:s21+$0xFFFFFFF0];
	[tilespmem:v0+s20+$0x20 ss:$0x1] =	vst.idx.msk $0xffff, v5  }
.Ltmp3:
0x2d: {  	v1 =	vld [tilespmem:s21+$0x0];
	[tilespmem:v0+s20+$0xFFFFFFC0 ss:$0x1] =	vst.idx.msk $0xffff, v2;
	s20 =	sshra.s32 s22, $0x2;
	s22 =	smov.u32 s23;
	(pc) =	sbr.rel @p0 .LBB1_5-.Ltmp3, $4  }
0x2e: {  	v3 =	vld [tilespmem:s21+$0x10];
	[tilespmem:v0+s20+$0x30 ss:$0x1] =	vst.idx.msk $0xffff, v4  }
0x2f: {  	[tilespmem:v0+s20+$0xFFFFFFD0 ss:$0x1] =	vst.idx.msk $0xffff, v6;
	v5 =	vld [tilespmem:s21+$0x20]  }
0x30: {  	v2 =	vld [tilespmem:s21+$0xFFFFFFC0];
	[tilespmem:v0+s20+$0xFFFFFFE0 ss:$0x1] =	vst.idx.msk $0xffff, v7;
	s21 =	sadd.s32 $0x80, s21  }
0x31: {  	s23 =	sadd.s32 $0x800, s23;
	v4 =	vld [tilespmem:s21+$0x30];
	[tilespmem:v0+s20+$0xFFFFFFF0 ss:$0x1] =	vst.idx.msk $0xffff, v8  }
0x32: {  	_ =	sdelay $0x3  }
0x33: {  	v6 =	vld [tilespmem:s21+$0xFFFFFFD0];
	[tilespmem:v0+s20+$0x0 ss:$0x1] =	vst.idx.msk $0xffff, v1  }
0x34: {  	v58 =	vld [tilespmem:s21+$0xFFFFFFE0];
	[tilespmem:v0+s20+$0x10 ss:$0x1] =	vst.idx.msk $0xffff, v3  }
0x35: {  	v59 =	vld [tilespmem:s21+$0xFFFFFFF0];
	[tilespmem:v0+s20+$0x20 ss:$0x1] =	vst.idx.msk $0xffff, v5  }
0x36: {  	s22 =	sshra.s32 s22, $0x2;
	v60 =	vld [tilespmem:s21+$0x0];
	[tilespmem:v0+s20+$0xFFFFFFC0 ss:$0x1] =	vst.idx.msk $0xffff, v2  }
0x37: {  	v61 =	vld [tilespmem:s21+$0x10];
	[tilespmem:v0+s22+$0x30 ss:$0x1] =	vst.idx.msk $0xffff, v4  }
0x38: {  	v62 =	vld [tilespmem:s21+$0x20];
	s19 =	sadd.s32 $0x1, s19;
	[tilespmem:v0+s22+$0xFFFFFFD0 ss:$0x1] =	vst.idx.msk $0xffff, v6  }
0x39: {  	v63 =	vld [tilespmem:s21+$0xFFFFFFC0];
	p0 =	sne.s32 s19, $0x4;
	[tilespmem:v0+s22+$0xFFFFFFE0 ss:$0x1] =	vst.idx.msk $0xffff, v58  }
.Ltmp4:
0x3a: {  	[tilespmem:v0+s22+$0xFFFFFFF0 ss:$0x1] =	vst.idx.msk $0xffff, v59;
	(pc) =	sbr.rel @p0 .LBB1_4-.Ltmp4, $4  }
0x3b: {  	[tilespmem:v0+s22+$0x0 ss:$0x1] =	vst.idx.msk $0xffff, v60  }
0x3c: {  	[tilespmem:v0+s22+$0x10 ss:$0x1] =	vst.idx.msk $0xffff, v61  }
0x3d: {  	[tilespmem:v0+s22+$0x20 ss:$0x1] =	vst.idx.msk $0xffff, v62  }
0x3e: {  	s18 =	sadd.s32 $0x400, s18;
	s17 =	sadd.s32 $0x80, s17;
	[tilespmem:v0+s22+$0xFFFFFFC0 ss:$0x1] =	vst.idx.msk $0xffff, v63  }
0x3f: {  	s16 =	sadd.s32 $0x1, s16  }
0x40: {  	p0 =	sne.s32 s16, $0x4  }
.Ltmp5:
0x41: {  	_ = 	snop;
	(pc) =	sbr.rel @p0 .LBB1_3-.Ltmp5, $2  }
0x42: {  	_ =	sdelay $0x2  }
0x43: {  	s13 =	sadd.s32 $0x1000, s13;
	s14 =	sadd.s32 $0x1000, s14  }
.Ltmp6:
0x44: {  	(pc) =	sbr.rel .LBB1_9-.Ltmp6, $4  }
0x45: {  	_ = 	snop  }
0x46: {  	s12 =	sshll.u32 s12, $0x9  }
0x47: {  	s12 =	sadd.s32 s4, s12  }
0x48: {  	[hbm4b:s12+s8] =	stream.linear.scatter [tilespmem:s15], [sflag:$0x2], $0x4000, $0x38;
	[tilespmem:$0x10000] =	vst v63  }
.LBB1_10:
0x49: {  	_ =	sfence.sel $0x180000  }
0x4a: {  	s2 =	simm.s32 $0x1;
	[bflag:$0x0] =	sbarrier.arrive $0xFFFF  }
0x4b: {  	s31 =	simm.s32 $0x2;
	[sflag:s2] =	ssyncpa.u1 $0x1  }
0x4c: {  	[sflag:s31] =	ssyncpa.u1 $0x1  }
0x4d: {  	p0 =	sne.s32 s0, $0x0;
	_ =	strace $0x90000047  }
0x4e: {  	s0 =	sadd.s32 @!p0 $0x100000, s1;
	[bflag:$0x2] =	sbarrier.arrive $0xFFFF  }
0x4f: {  	[sflag:s0] =	ssyncadd.tile.s32 @!p0 $0x1;
	_ =	shalt  }
.Lfunc_end1:
_tile_overlayer_lowered:
.L_overlay_start_2:
0x50: {  	(tag) =	ssettag $0x2  }
0x51: {  	s0 =	rddreg [dreg:$0x0];
	s2 =	stileid.u32  }
0x52: {  	s1 =	rddreg [dreg:$0x1];
	p0 =	sne.s32 s2, $0x0  }
0x53: {  	s3 =	rddreg [dreg:$0x2];
	[bflag:$0x3] =	sbarrier.arrive $0xFFFF;
	s2 =	simm.s32 @!p0 $0x1C01  }
0x54: {  	[timem:s3], [sflag:s2] =	dma.local @!p0 [hbm:s0], s1  }
0x55: {  	s0 =	simm.s32 @!p0 $0x1  }
0x56: {  	_ =	swait.ge @!p0 [sflag:s0], s1  }
0x57: {  	s1 =	ssub.s32 @!p0 $0x0, s1;
	[sflag:s0] =	ssyncset.done @!p0 $0x0  }
0x58: {  	[sflag:s0] =	ssyncadd.s32 @!p0 s1  }
0x59: {  	[bflag:$0x3] =	sbarrier.arrive $0xFFFF  }
0x5a: {  	_ =	shalt  }

</sc_bundles>
